<compile_context>
chip_gen: v7x
topology: tpu7x:2x2x1
jax: 0.10.2.dev20260603
libtpu: 0.0.44.dev20260713+nightly
codegen_flags: <defaults>
</compile_context>

<pallas_src>
import functools

import jax
import jax.numpy as jnp
from jax import lax
from jax.experimental import pallas as pl
from jax.experimental.pallas import tpu as pltpu
from jax.experimental.pallas import tpu_sc as plsc

B, V, N, M, IMG = 4, 8, 8192, 512, 224
NC, NS, L = 2, 16, 16
NW = NC * NS
PTS_PER_TILE = (B * N) // NW
VECS = PTS_PER_TILE // L
PAD = 544
EXT = M + 2 * PAD
SIDE = 12
TBLW = 232
BIG = 1e9


def _tile_body(pts, maskf, bb, invc, post,
               out,
               px_v, py_v, z_v, pcx_v, pcy_v, pcz_v,
               mask_v, bxs_v, bys_v, inv_v, post_v, ox_v, oy_v, oz_v, sem):
    wid = lax.axis_index("c") * NS + lax.axis_index("s")
    batch = wid // (NW // B)
    base = wid * PTS_PER_TILE

    cps = [
        pltpu.async_copy(pts.at[pl.ds(0 * B * N + base, PTS_PER_TILE)], px_v, sem),
        pltpu.async_copy(pts.at[pl.ds(1 * B * N + base, PTS_PER_TILE)], py_v, sem),
        pltpu.async_copy(pts.at[pl.ds(2 * B * N + base, PTS_PER_TILE)], z_v, sem),
        pltpu.async_copy(pts.at[pl.ds(3 * B * N + base, PTS_PER_TILE)], pcx_v, sem),
        pltpu.async_copy(pts.at[pl.ds(4 * B * N + base, PTS_PER_TILE)], pcy_v, sem),
        pltpu.async_copy(pts.at[pl.ds(5 * B * N + base, PTS_PER_TILE)], pcz_v, sem),
        pltpu.async_copy(maskf.at[pl.ds(batch * IMG * IMG, IMG * IMG)], mask_v, sem),
        pltpu.async_copy(bb.at[pl.ds(batch * 2 * EXT, EXT)], bxs_v, sem),
        pltpu.async_copy(bb.at[pl.ds(batch * 2 * EXT + EXT, EXT)], bys_v, sem),
        pltpu.async_copy(invc.at[pl.ds(batch * 4 * 3 * L, 4 * 3 * L)], inv_v, sem),
        pltpu.async_copy(post.at[pl.ds(batch * TBLW, TBLW)], post_v, sem),
    ]
    for c in cps:
        c.wait()

    def point_vec(v, carry):
        s = v * L
        pxf = px_v[pl.ds(s, L)]
        pyf = py_v[pl.ds(s, L)]
        pxn = pxf / 224.0
        pyn = pyf / 224.0

        pxi = pxf.astype(jnp.int32)
        pyi = pyf.astype(jnp.int32)
        pyc = jnp.clip(pyi, 0, IMG - 1)
        pxc = jnp.clip(pxi, 0, IMG - 1)

        pos = plsc.load_gather(post_v, [pxc])
        clo0 = pos + (PAD - SIDE)
        chi0 = pos + PAD

        def body(st):
            clo, chi, bd, bt, _, _ = st
            pairs = []
            for u in range(SIDE):
                t = clo + u
                bx = plsc.load_gather(bxs_v, [t])
                by = plsc.load_gather(bys_v, [t])
                dx = pxn - bx
                dy = pyn - by
                pairs.append((dx * dx + dy * dy, t))
                if u == 0:
                    glo_last = dx
            for u in range(SIDE):
                t = chi + u
                bx = plsc.load_gather(bxs_v, [t])
                by = plsc.load_gather(bys_v, [t])
                dx = pxn - bx
                dy = pyn - by
                pairs.append((dx * dx + dy * dy, t))
                if u == SIDE - 1:
                    ghi_last = -dx
            while len(pairs) > 1:
                nxt = []
                for q in range(0, len(pairs) - 1, 2):
                    a, b = pairs[q], pairs[q + 1]
                    m = b[0] < a[0]
                    nxt.append((jnp.where(m, b[0], a[0]),
                                jnp.where(m, b[1], a[1])))
                if len(pairs) % 2:
                    nxt.append(pairs[-1])
                pairs = nxt
            dg, tg = pairs[0]
            m = dg < bd
            bd = jnp.where(m, dg, bd)
            bt = jnp.where(m, tg, bt)
            return (clo - SIDE, chi + SIDE, bd, bt, glo_last, ghi_last)

        def cond(st):
            _, _, bd, _, glo_last, ghi_last = st
            gmin = jnp.minimum(glo_last, ghi_last)
            alive = jnp.where(gmin * gmin <= bd, 1, 0).astype(jnp.int32)
            return jnp.max(alive) > 0

        bd0 = jnp.full((L,), jnp.inf, dtype=jnp.float32)
        zf32 = jnp.zeros((L,), dtype=jnp.float32)
        st = (clo0, chi0, bd0, chi0, zf32, zf32)
        st = body(st)
        st = lax.while_loop(cond, body, st)
        bt = st[3]

        nbx = plsc.load_gather(bxs_v, [bt])
        nby = plsc.load_gather(bys_v, [bt])

        mval = plsc.load_gather(mask_v, [pyc * IMG + pxc])
        inimg = (pyi == pyc) & (pxi == pxc)
        flag = (mval == 0.0) | jnp.logical_not(inimg)

        zv = z_v[pl.ds(s, L)]
        b0 = (nbx * 224.0) * zv
        b1 = (nby * 224.0) * zv
        pc_vs = (pcx_v, pcy_v, pcz_v)
        o_vs = (ox_v, oy_v, oz_v)
        for cix in range(3):
            a0 = inv_v[pl.ds((0 * 3 + cix) * L, L)]
            a1 = inv_v[pl.ds((1 * 3 + cix) * L, L)]
            a2 = inv_v[pl.ds((2 * 3 + cix) * L, L)]
            a3 = inv_v[pl.ds((3 * 3 + cix) * L, L)]
            bc = b0 * a0 + b1 * a1 + zv * a2 + a3
            o_vs[cix][pl.ds(s, L)] = jnp.where(flag, bc, pc_vs[cix][pl.ds(s, L)])
        return carry

    lax.fori_loop(0, VECS, point_vec, 0)

    pltpu.sync_copy(ox_v, out.at[pl.ds(0 * B * N + base, PTS_PER_TILE)])
    pltpu.sync_copy(oy_v, out.at[pl.ds(1 * B * N + base, PTS_PER_TILE)])
    pltpu.sync_copy(oz_v, out.at[pl.ds(2 * B * N + base, PTS_PER_TILE)])


@functools.partial(
    pl.kernel,
    out_type=jax.ShapeDtypeStruct((3 * B * N,), jnp.float32),
    mesh=plsc.VectorSubcoreMesh(core_axis_name="c", subcore_axis_name="s"),
    compiler_params=pltpu.CompilerParams(needs_layout_passes=False),
    scratch_types=[
        pltpu.VMEM((PTS_PER_TILE,), jnp.float32),
        pltpu.VMEM((PTS_PER_TILE,), jnp.float32),
        pltpu.VMEM((PTS_PER_TILE,), jnp.float32),
        pltpu.VMEM((PTS_PER_TILE,), jnp.float32),
        pltpu.VMEM((PTS_PER_TILE,), jnp.float32),
        pltpu.VMEM((PTS_PER_TILE,), jnp.float32),
        pltpu.VMEM((IMG * IMG,), jnp.float32),
        pltpu.VMEM((EXT,), jnp.float32),
        pltpu.VMEM((EXT,), jnp.float32),
        pltpu.VMEM((4 * 3 * L,), jnp.float32),
        pltpu.VMEM((TBLW,), jnp.int32),
        pltpu.VMEM((PTS_PER_TILE,), jnp.float32),
        pltpu.VMEM((PTS_PER_TILE,), jnp.float32),
        pltpu.VMEM((PTS_PER_TILE,), jnp.float32),
        pltpu.SemaphoreType.DMA,
    ],
)
def _sc_calibrate(*refs):
    _tile_body(*refs)


def kernel(pc, mask, bounds, view_id, inv_param, proj_fine, proj_finez):
    projv = lax.dynamic_index_in_dim(proj_fine, view_id, axis=1, keepdims=False)
    maskv = lax.dynamic_index_in_dim(mask, view_id, axis=1, keepdims=False)
    boundsv = lax.dynamic_index_in_dim(bounds, view_id, axis=1, keepdims=False)
    invv = lax.dynamic_index_in_dim(inv_param, view_id, axis=1, keepdims=False)
    zv = lax.dynamic_index_in_dim(proj_finez, view_id, axis=1, keepdims=False)

    pxr = jnp.round(projv[..., 0]).reshape(B * N)
    pyr = jnp.round(224.0 - projv[..., 1]).reshape(B * N)
    pts = jnp.concatenate([pxr, pyr, zv.reshape(B * N),
                           pc[..., 0].reshape(B * N),
                           pc[..., 1].reshape(B * N),
                           pc[..., 2].reshape(B * N)])

    maskf = maskv.reshape(B * IMG * IMG)

    bn = boundsv / 224.0
    bxn = bn[..., 0]
    byn = bn[..., 1]
    bxsrt, bysrt = lax.sort((bxn, byn), dimension=1, num_keys=1)
    bxsp = jnp.pad(bxsrt, ((0, 0), (PAD, PAD)),
                   constant_values=((0.0, 0.0), (-BIG, BIG)))
    bysp = jnp.pad(bysrt, ((0, 0), (PAD, PAD)))
    bb = jnp.concatenate([bxsp[:, None, :], bysp[:, None, :]],
                         axis=1).reshape(B * 2 * EXT)

    invc = jnp.broadcast_to(invv[:, :, :3, None], (B, 4, 3, L)).reshape(B * 4 * 3 * L)

    grid = jnp.arange(226, dtype=jnp.float32) / 224.0
    post = jnp.sum((bxsrt[:, :, None] <= grid[None, None, :]).astype(jnp.int32),
                   axis=1)
    post = jnp.pad(post, ((0, 0), (0, TBLW - 226))).reshape(B * TBLW)

    out = _sc_calibrate(pts, maskf, bb, invc, post)
    return out.reshape(3, B * N).T.reshape(B, N, 3)

# --- scband reference (transcript-rebuilt; emitter-appended) ---
"""Pipeline reference for scband-calibration-78606491451591 (READ-ONLY COPY).

The authoritative reference and input builder live on the scoring server;
editing this copy changes nothing except your own understanding.
"""

import jax, jax.numpy as jnp
import numpy as np

B, V, N, M, IMG = 4, 8, 8192, 512, 224
VIEW_ID = 3


def setup_inputs(seed: int = 0) -> dict:
    key = jax.random.key(seed)
    ks = jax.random.split(key, 8)
    pc = jax.random.normal(ks[0], (B, N, 3), dtype=jnp.float32)
    mask = jax.random.randint(ks[1], (B, V, IMG, IMG), 0, 2).astype(jnp.float32)
    bounds = jax.random.uniform(ks[2], (B, V, M, 2), dtype=jnp.float32) * 224.0
    inv_param = jax.random.normal(ks[3], (B, V, 4, 4), dtype=jnp.float32)
    proj_fine = jax.random.uniform(ks[4], (B, V, N, 2), dtype=jnp.float32) * 224.0
    proj_finez = jax.random.uniform(ks[5], (B, V, N), dtype=jnp.float32) + 0.5
    return {"pc": pc, "mask": mask, "bounds": bounds, "view_id": VIEW_ID,
            "inv_param": inv_param, "proj_fine": proj_fine, "proj_finez": proj_finez}


def _knn1(o, b):
    # knn_points with K=1: squared distances, nearest idx, nearest points
    d2 = jnp.sum((o[:, None, :] - b[None, :, :]) ** 2, axis=-1)  # (k, m)
    nn_idx = jnp.argmin(d2, axis=1)
    dist = jnp.take_along_axis(d2, nn_idx[:, None], axis=1)[:, 0]
    return dist, nn_idx, b[nn_idx]


def reference(pc, mask, bounds, view_id, inv_param, proj_fine, proj_finez):
    bsz, v_num, p_num = proj_fine.shape[0], proj_fine.shape[1], proj_fine.shape[2]
    # --- out_distance ---
    projxy = proj_fine.at[:, :, :, 1].set(224 - proj_fine[:, :, :, 1])
    projxy = jnp.round(projxy).astype(jnp.int32)
    mask_p = jnp.pad(mask, ((0, 0), (0, 0), (1, 1), (1, 1)))  # ZeroPad2d(1)
    xidx = jnp.clip(projxy[:, :, :, 1] + 1, 0, 225)
    yidx = jnp.clip(projxy[:, :, :, 0] + 1, 0, 225)
    bidx = jnp.arange(bsz)[:, None, None]
    vidx = jnp.arange(v_num)[None, :, None]
    mask_res = mask_p[bidx, vidx, xidx, yidx]  # (b, v, n) gather
    distance_res = jnp.zeros((bsz, v_num), dtype=jnp.float32)
    for i in range(bsz):
        for j in range(v_num):
            out_flag = mask_res[i, j] == 0
            pts = projxy[i, j].astype(bounds.dtype)
            dist, nn_idx, n_bound = _knn1(pts / 224.0, bounds[i, j] / 224.0)
            cnt = jnp.sum(out_flag)
            mean_dist = jnp.where(
                cnt > 0,
                jnp.sum(jnp.where(out_flag, dist, 0.0)) / jnp.maximum(cnt, 1).astype(dist.dtype),
                0.0,
            )
            distance_res = distance_res.at[i, j].set(mean_dist)
    # --- move_out --- (out_loss = distance_res is discarded by forward)
    z_coor = proj_finez[:, view_id]
    invp = inv_param[:, view_id]
    projxy_v = projxy[:, view_id]
    bounds_v = bounds[:, view_id]
    mask_res_v = mask_res[:, view_id]
    pc_copy = pc
    for i in range(bsz):
        out_flag = mask_res_v[i] == 0
        pts = projxy_v[i].astype(bounds.dtype)
        _, _, n_bound = _knn1(pts / 224.0, bounds_v[i] / 224.0)
        vb = n_bound * 224.0
        z = z_coor[i][:, None]
        back = vb * jnp.concatenate([z, z], axis=-1)
        back = jnp.concatenate([back, z, jnp.ones((back.shape[0], 1), dtype=pc.dtype)], axis=-1)
        back = back @ invp[i]
        pc_copy = pc_copy.at[i].set(jnp.where(out_flag[:, None], back[:, :3], pc_copy[i]))
    return pc_copy

if __name__ == "__main__":
    import jax
    _d = setup_inputs()
    print(jax.jit(kernel)(*tuple(_d.values())))

</pallas_src>

<mosaic_0001>
#map = affine_map<(d0, d1) -> (0)>
module attributes {stable_mosaic.version = 14 : i64} {
  func.func @_sc_calibrate(%arg0: i32, %arg1: i32, %arg2: memref<196608xf32, #tpu.memory_space<hbm>>, %arg3: memref<200704xf32, #tpu.memory_space<hbm>>, %arg4: memref<12800xf32, #tpu.memory_space<hbm>>, %arg5: memref<768xf32, #tpu.memory_space<hbm>>, %arg6: memref<928xi32, #tpu.memory_space<hbm>>, %arg7: memref<98304xf32, #tpu.memory_space<hbm>>, %arg8: memref<1024xf32, #tpu.memory_space<vmem>>, %arg9: memref<1024xf32, #tpu.memory_space<vmem>>, %arg10: memref<1024xf32, #tpu.memory_space<vmem>>, %arg11: memref<1024xf32, #tpu.memory_space<vmem>>, %arg12: memref<1024xf32, #tpu.memory_space<vmem>>, %arg13: memref<1024xf32, #tpu.memory_space<vmem>>, %arg14: memref<50176xf32, #tpu.memory_space<vmem>>, %arg15: memref<1600xf32, #tpu.memory_space<vmem>>, %arg16: memref<1600xf32, #tpu.memory_space<vmem>>, %arg17: memref<192xf32, #tpu.memory_space<vmem>>, %arg18: memref<232xi32, #tpu.memory_space<vmem>>, %arg19: memref<1024xf32, #tpu.memory_space<vmem>>, %arg20: memref<1024xf32, #tpu.memory_space<vmem>>, %arg21: memref<1024xf32, #tpu.memory_space<vmem>>, %arg22: memref<!tpu.dma_semaphore, #tpu.memory_space<semaphore_mem>>) attributes {dimension_semantics = [#tpu.dimension_semantics<core_parallel>, #tpu.dimension_semantics<subcore_parallel>], iteration_bounds = array<i64: 2, 16>, scalar_prefetch = 0 : i64, scratch_operands = 15 : i64, tpu.core_type = #tpu.core_type<sc_vector_subcore>, window_params = [{transform_indices = #map}, {transform_indices = #map}, {transform_indices = #map}, {transform_indices = #map}, {transform_indices = #map}, {transform_indices = #map}]} {
    %mul3A = arith.constant 16 : i32
    %mul3A_0 = arith.muli %arg0, %mul3A : i32
    %add3A = arith.addi %mul3A_0, %arg1 : i32
    %jit3A = arith.constant 8 : i32
    %div3A = arith.divsi %add3A, %jit3A : i32
    %sign3A = arith.constant 0 : i32
    %sign3A_1 = arith.cmpi sgt, %add3A, %sign3A : i32
    %sign3A_2 = arith.extui %sign3A_1 : i1 to i32
    %sign3A_3 = arith.constant 0 : i32
    %sign3A_4 = arith.cmpi slt, %add3A, %sign3A_3 : i32
    %sign3A_5 = arith.extui %sign3A_4 : i1 to i32
    %sign3A_6 = arith.subi %sign3A_2, %sign3A_5 : i32
    %sign3A_7 = arith.constant 0 : i32
    %sign3A_8 = arith.cmpi sgt, %jit3A, %sign3A_7 : i32
    %sign3A_9 = arith.extui %sign3A_8 : i1 to i32
    %sign3A_10 = arith.constant 0 : i32
    %sign3A_11 = arith.cmpi slt, %jit3A, %sign3A_10 : i32
    %sign3A_12 = arith.extui %sign3A_11 : i1 to i32
    %sign3A_13 = arith.subi %sign3A_9, %sign3A_12 : i32
    %ne3A = arith.cmpi ne, %sign3A_6, %sign3A_13 : i32
    %rem3A = arith.remsi %add3A, %jit3A : i32
    %ne3A_14 = arith.constant 0 : i32
    %ne3A_15 = arith.cmpi ne, %rem3A, %ne3A_14 : i32
    %and3A = arith.andi %ne3A, %ne3A_15 : i1
    %sub3A = arith.constant 1 : i32
    %sub3A_16 = arith.subi %div3A, %sub3A : i32
    %select_n3A = arith.select %and3A, %sub3A_16, %div3A : i32
    %mul3A_17 = arith.constant 1024 : i32
    %mul3A_18 = arith.muli %add3A, %mul3A_17 : i32
    %add3A_19 = arith.constant 0 : i32
    %add3A_20 = arith.addi %add3A_19, %mul3A_18 : i32
    %dma_start3A = tpu.memref_slice %arg2[%add3A_20] : memref<196608xf32, #tpu.memory_space<hbm>> -> memref<1024xf32, #tpu.memory_space<hbm>>
    %dma_start3A_21 = tpu.memref_slice %arg2[%add3A_20] : memref<196608xf32, #tpu.memory_space<hbm>> -> memref<1024xf32, #tpu.memory_space<hbm>>
    tpu.enqueue_dma source(%dma_start3A_21 : memref<1024xf32, #tpu.memory_space<hbm>>) target(%arg8 : memref<1024xf32, #tpu.memory_space<vmem>>) target_semaphore(%arg22 : memref<!tpu.dma_semaphore, #tpu.memory_space<semaphore_mem>>)
    %add3A_22 = arith.constant 32768 : i32
    %add3A_23 = arith.addi %add3A_22, %mul3A_18 : i32
    %dma_start3A_24 = tpu.memref_slice %arg2[%add3A_23] : memref<196608xf32, #tpu.memory_space<hbm>> -> memref<1024xf32, #tpu.memory_space<hbm>>
    %dma_start3A_25 = tpu.memref_slice %arg2[%add3A_23] : memref<196608xf32, #tpu.memory_space<hbm>> -> memref<1024xf32, #tpu.memory_space<hbm>>
    tpu.enqueue_dma source(%dma_start3A_25 : memref<1024xf32, #tpu.memory_space<hbm>>) target(%arg9 : memref<1024xf32, #tpu.memory_space<vmem>>) target_semaphore(%arg22 : memref<!tpu.dma_semaphore, #tpu.memory_space<semaphore_mem>>)
    %add3A_26 = arith.constant 65536 : i32
    %add3A_27 = arith.addi %add3A_26, %mul3A_18 : i32
    %dma_start3A_28 = tpu.memref_slice %arg2[%add3A_27] : memref<196608xf32, #tpu.memory_space<hbm>> -> memref<1024xf32, #tpu.memory_space<hbm>>
    %dma_start3A_29 = tpu.memref_slice %arg2[%add3A_27] : memref<196608xf32, #tpu.memory_space<hbm>> -> memref<1024xf32, #tpu.memory_space<hbm>>
    tpu.enqueue_dma source(%dma_start3A_29 : memref<1024xf32, #tpu.memory_space<hbm>>) target(%arg10 : memref<1024xf32, #tpu.memory_space<vmem>>) target_semaphore(%arg22 : memref<!tpu.dma_semaphore, #tpu.memory_space<semaphore_mem>>)
    %add3A_30 = arith.constant 98304 : i32
    %add3A_31 = arith.addi %add3A_30, %mul3A_18 : i32
    %dma_start3A_32 = tpu.memref_slice %arg2[%add3A_31] : memref<196608xf32, #tpu.memory_space<hbm>> -> memref<1024xf32, #tpu.memory_space<hbm>>
    %dma_start3A_33 = tpu.memref_slice %arg2[%add3A_31] : memref<196608xf32, #tpu.memory_space<hbm>> -> memref<1024xf32, #tpu.memory_space<hbm>>
    tpu.enqueue_dma source(%dma_start3A_33 : memref<1024xf32, #tpu.memory_space<hbm>>) target(%arg11 : memref<1024xf32, #tpu.memory_space<vmem>>) target_semaphore(%arg22 : memref<!tpu.dma_semaphore, #tpu.memory_space<semaphore_mem>>)
    %add3A_34 = arith.constant 131072 : i32
    %add3A_35 = arith.addi %add3A_34, %mul3A_18 : i32
    %dma_start3A_36 = tpu.memref_slice %arg2[%add3A_35] : memref<196608xf32, #tpu.memory_space<hbm>> -> memref<1024xf32, #tpu.memory_space<hbm>>
    %dma_start3A_37 = tpu.memref_slice %arg2[%add3A_35] : memref<196608xf32, #tpu.memory_space<hbm>> -> memref<1024xf32, #tpu.memory_space<hbm>>
    tpu.enqueue_dma source(%dma_start3A_37 : memref<1024xf32, #tpu.memory_space<hbm>>) target(%arg12 : memref<1024xf32, #tpu.memory_space<vmem>>) target_semaphore(%arg22 : memref<!tpu.dma_semaphore, #tpu.memory_space<semaphore_mem>>)
    %add3A_38 = arith.constant 163840 : i32
    %add3A_39 = arith.addi %add3A_38, %mul3A_18 : i32
    %dma_start3A_40 = tpu.memref_slice %arg2[%add3A_39] : memref<196608xf32, #tpu.memory_space<hbm>> -> memref<1024xf32, #tpu.memory_space<hbm>>
    %dma_start3A_41 = tpu.memref_slice %arg2[%add3A_39] : memref<196608xf32, #tpu.memory_space<hbm>> -> memref<1024xf32, #tpu.memory_space<hbm>>
    tpu.enqueue_dma source(%dma_start3A_41 : memref<1024xf32, #tpu.memory_space<hbm>>) target(%arg13 : memref<1024xf32, #tpu.memory_space<vmem>>) target_semaphore(%arg22 : memref<!tpu.dma_semaphore, #tpu.memory_space<semaphore_mem>>)
    %mul3A_42 = arith.constant 224 : i32
    %mul3A_43 = arith.muli %select_n3A, %mul3A_42 : i32
    %mul3A_44 = arith.constant 224 : i32
    %mul3A_45 = arith.muli %mul3A_43, %mul3A_44 : i32
    %dma_start3A_46 = tpu.memref_slice %arg3[%mul3A_45] : memref<200704xf32, #tpu.memory_space<hbm>> -> memref<50176xf32, #tpu.memory_space<hbm>>
    %dma_start3A_47 = tpu.memref_slice %arg3[%mul3A_45] : memref<200704xf32, #tpu.memory_space<hbm>> -> memref<50176xf32, #tpu.memory_space<hbm>>
    tpu.enqueue_dma source(%dma_start3A_47 : memref<50176xf32, #tpu.memory_space<hbm>>) target(%arg14 : memref<50176xf32, #tpu.memory_space<vmem>>) target_semaphore(%arg22 : memref<!tpu.dma_semaphore, #tpu.memory_space<semaphore_mem>>)
    %mul3A_48 = arith.constant 2 : i32
    %mul3A_49 = arith.muli %select_n3A, %mul3A_48 : i32
    %mul3A_50 = arith.constant 1600 : i32
    %mul3A_51 = arith.muli %mul3A_49, %mul3A_50 : i32
    %dma_start3A_52 = tpu.memref_slice %arg4[%mul3A_51] : memref<12800xf32, #tpu.memory_space<hbm>> -> memref<1600xf32, #tpu.memory_space<hbm>>
    %dma_start3A_53 = tpu.memref_slice %arg4[%mul3A_51] : memref<12800xf32, #tpu.memory_space<hbm>> -> memref<1600xf32, #tpu.memory_space<hbm>>
    tpu.enqueue_dma source(%dma_start3A_53 : memref<1600xf32, #tpu.memory_space<hbm>>) target(%arg15 : memref<1600xf32, #tpu.memory_space<vmem>>) target_semaphore(%arg22 : memref<!tpu.dma_semaphore, #tpu.memory_space<semaphore_mem>>)
    %mul3A_54 = arith.constant 2 : i32
    %mul3A_55 = arith.muli %select_n3A, %mul3A_54 : i32
    %mul3A_56 = arith.constant 1600 : i32
    %mul3A_57 = arith.muli %mul3A_55, %mul3A_56 : i32
    %add3A_58 = arith.constant 1600 : i32
    %add3A_59 = arith.addi %mul3A_57, %add3A_58 : i32
    %dma_start3A_60 = tpu.memref_slice %arg4[%add3A_59] : memref<12800xf32, #tpu.memory_space<hbm>> -> memref<1600xf32, #tpu.memory_space<hbm>>
    %dma_start3A_61 = tpu.memref_slice %arg4[%add3A_59] : memref<12800xf32, #tpu.memory_space<hbm>> -> memref<1600xf32, #tpu.memory_space<hbm>>
    tpu.enqueue_dma source(%dma_start3A_61 : memref<1600xf32, #tpu.memory_space<hbm>>) target(%arg16 : memref<1600xf32, #tpu.memory_space<vmem>>) target_semaphore(%arg22 : memref<!tpu.dma_semaphore, #tpu.memory_space<semaphore_mem>>)
    %mul3A_62 = arith.constant 4 : i32
    %mul3A_63 = arith.muli %select_n3A, %mul3A_62 : i32
    %mul3A_64 = arith.constant 3 : i32
    %mul3A_65 = arith.muli %mul3A_63, %mul3A_64 : i32
    %mul3A_66 = arith.constant 16 : i32
    %mul3A_67 = arith.muli %mul3A_65, %mul3A_66 : i32
    %dma_start3A_68 = tpu.memref_slice %arg5[%mul3A_67] : memref<768xf32, #tpu.memory_space<hbm>> -> memref<192xf32, #tpu.memory_space<hbm>>
    %dma_start3A_69 = tpu.memref_slice %arg5[%mul3A_67] : memref<768xf32, #tpu.memory_space<hbm>> -> memref<192xf32, #tpu.memory_space<hbm>>
    tpu.enqueue_dma source(%dma_start3A_69 : memref<192xf32, #tpu.memory_space<hbm>>) target(%arg17 : memref<192xf32, #tpu.memory_space<vmem>>) target_semaphore(%arg22 : memref<!tpu.dma_semaphore, #tpu.memory_space<semaphore_mem>>)
    %mul3A_70 = arith.constant 232 : i32
    %mul3A_71 = arith.muli %select_n3A, %mul3A_70 : i32
    %dma_start3A_72 = tpu.memref_slice %arg6[%mul3A_71] : memref<928xi32, #tpu.memory_space<hbm>> -> memref<232xi32, #tpu.memory_space<hbm>>
    %dma_start3A_73 = tpu.memref_slice %arg6[%mul3A_71] : memref<928xi32, #tpu.memory_space<hbm>> -> memref<232xi32, #tpu.memory_space<hbm>>
    tpu.enqueue_dma source(%dma_start3A_73 : memref<232xi32, #tpu.memory_space<hbm>>) target(%arg18 : memref<232xi32, #tpu.memory_space<vmem>>) target_semaphore(%arg22 : memref<!tpu.dma_semaphore, #tpu.memory_space<semaphore_mem>>)
    %dma_wait3A = tpu.memref_slice %arg2[%add3A_20] : memref<196608xf32, #tpu.memory_space<hbm>> -> memref<1024xf32, #tpu.memory_space<hbm>>
    %dma_wait3A_74 = tpu.memref_slice %arg2[%add3A_20] : memref<196608xf32, #tpu.memory_space<hbm>> -> memref<1024xf32, #tpu.memory_space<hbm>>
    tpu.wait_dma2 semaphore(%arg22 : memref<!tpu.dma_semaphore, #tpu.memory_space<semaphore_mem>>) src(%dma_wait3A_74 : memref<1024xf32, #tpu.memory_space<hbm>>) dst(%arg8 : memref<1024xf32, #tpu.memory_space<vmem>>)
    %dma_wait3A_75 = tpu.memref_slice %arg2[%add3A_23] : memref<196608xf32, #tpu.memory_space<hbm>> -> memref<1024xf32, #tpu.memory_space<hbm>>
    %dma_wait3A_76 = tpu.memref_slice %arg2[%add3A_23] : memref<196608xf32, #tpu.memory_space<hbm>> -> memref<1024xf32, #tpu.memory_space<hbm>>
    tpu.wait_dma2 semaphore(%arg22 : memref<!tpu.dma_semaphore, #tpu.memory_space<semaphore_mem>>) src(%dma_wait3A_76 : memref<1024xf32, #tpu.memory_space<hbm>>) dst(%arg9 : memref<1024xf32, #tpu.memory_space<vmem>>)
    %dma_wait3A_77 = tpu.memref_slice %arg2[%add3A_27] : memref<196608xf32, #tpu.memory_space<hbm>> -> memref<1024xf32, #tpu.memory_space<hbm>>
    %dma_wait3A_78 = tpu.memref_slice %arg2[%add3A_27] : memref<196608xf32, #tpu.memory_space<hbm>> -> memref<1024xf32, #tpu.memory_space<hbm>>
    tpu.wait_dma2 semaphore(%arg22 : memref<!tpu.dma_semaphore, #tpu.memory_space<semaphore_mem>>) src(%dma_wait3A_78 : memref<1024xf32, #tpu.memory_space<hbm>>) dst(%arg10 : memref<1024xf32, #tpu.memory_space<vmem>>)
    %dma_wait3A_79 = tpu.memref_slice %arg2[%add3A_31] : memref<196608xf32, #tpu.memory_space<hbm>> -> memref<1024xf32, #tpu.memory_space<hbm>>
    %dma_wait3A_80 = tpu.memref_slice %arg2[%add3A_31] : memref<196608xf32, #tpu.memory_space<hbm>> -> memref<1024xf32, #tpu.memory_space<hbm>>
    tpu.wait_dma2 semaphore(%arg22 : memref<!tpu.dma_semaphore, #tpu.memory_space<semaphore_mem>>) src(%dma_wait3A_80 : memref<1024xf32, #tpu.memory_space<hbm>>) dst(%arg11 : memref<1024xf32, #tpu.memory_space<vmem>>)
    %dma_wait3A_81 = tpu.memref_slice %arg2[%add3A_35] : memref<196608xf32, #tpu.memory_space<hbm>> -> memref<1024xf32, #tpu.memory_space<hbm>>
    %dma_wait3A_82 = tpu.memref_slice %arg2[%add3A_35] : memref<196608xf32, #tpu.memory_space<hbm>> -> memref<1024xf32, #tpu.memory_space<hbm>>
    tpu.wait_dma2 semaphore(%arg22 : memref<!tpu.dma_semaphore, #tpu.memory_space<semaphore_mem>>) src(%dma_wait3A_82 : memref<1024xf32, #tpu.memory_space<hbm>>) dst(%arg12 : memref<1024xf32, #tpu.memory_space<vmem>>)
    %dma_wait3A_83 = tpu.memref_slice %arg2[%add3A_39] : memref<196608xf32, #tpu.memory_space<hbm>> -> memref<1024xf32, #tpu.memory_space<hbm>>
    %dma_wait3A_84 = tpu.memref_slice %arg2[%add3A_39] : memref<196608xf32, #tpu.memory_space<hbm>> -> memref<1024xf32, #tpu.memory_space<hbm>>
    tpu.wait_dma2 semaphore(%arg22 : memref<!tpu.dma_semaphore, #tpu.memory_space<semaphore_mem>>) src(%dma_wait3A_84 : memref<1024xf32, #tpu.memory_space<hbm>>) dst(%arg13 : memref<1024xf32, #tpu.memory_space<vmem>>)
    %dma_wait3A_85 = tpu.memref_slice %arg3[%mul3A_45] : memref<200704xf32, #tpu.memory_space<hbm>> -> memref<50176xf32, #tpu.memory_space<hbm>>
    %dma_wait3A_86 = tpu.memref_slice %arg3[%mul3A_45] : memref<200704xf32, #tpu.memory_space<hbm>> -> memref<50176xf32, #tpu.memory_space<hbm>>
    tpu.wait_dma2 semaphore(%arg22 : memref<!tpu.dma_semaphore, #tpu.memory_space<semaphore_mem>>) src(%dma_wait3A_86 : memref<50176xf32, #tpu.memory_space<hbm>>) dst(%arg14 : memref<50176xf32, #tpu.memory_space<vmem>>)
    %dma_wait3A_87 = tpu.memref_slice %arg4[%mul3A_51] : memref<12800xf32, #tpu.memory_space<hbm>> -> memref<1600xf32, #tpu.memory_space<hbm>>
    %dma_wait3A_88 = tpu.memref_slice %arg4[%mul3A_51] : memref<12800xf32, #tpu.memory_space<hbm>> -> memref<1600xf32, #tpu.memory_space<hbm>>
    tpu.wait_dma2 semaphore(%arg22 : memref<!tpu.dma_semaphore, #tpu.memory_space<semaphore_mem>>) src(%dma_wait3A_88 : memref<1600xf32, #tpu.memory_space<hbm>>) dst(%arg15 : memref<1600xf32, #tpu.memory_space<vmem>>)
    %dma_wait3A_89 = tpu.memref_slice %arg4[%add3A_59] : memref<12800xf32, #tpu.memory_space<hbm>> -> memref<1600xf32, #tpu.memory_space<hbm>>
    %dma_wait3A_90 = tpu.memref_slice %arg4[%add3A_59] : memref<12800xf32, #tpu.memory_space<hbm>> -> memref<1600xf32, #tpu.memory_space<hbm>>
    tpu.wait_dma2 semaphore(%arg22 : memref<!tpu.dma_semaphore, #tpu.memory_space<semaphore_mem>>) src(%dma_wait3A_90 : memref<1600xf32, #tpu.memory_space<hbm>>) dst(%arg16 : memref<1600xf32, #tpu.memory_space<vmem>>)
    %dma_wait3A_91 = tpu.memref_slice %arg5[%mul3A_67] : memref<768xf32, #tpu.memory_space<hbm>> -> memref<192xf32, #tpu.memory_space<hbm>>
    %dma_wait3A_92 = tpu.memref_slice %arg5[%mul3A_67] : memref<768xf32, #tpu.memory_space<hbm>> -> memref<192xf32, #tpu.memory_space<hbm>>
    tpu.wait_dma2 semaphore(%arg22 : memref<!tpu.dma_semaphore, #tpu.memory_space<semaphore_mem>>) src(%dma_wait3A_92 : memref<192xf32, #tpu.memory_space<hbm>>) dst(%arg17 : memref<192xf32, #tpu.memory_space<vmem>>)
    %dma_wait3A_93 = tpu.memref_slice %arg6[%mul3A_71] : memref<928xi32, #tpu.memory_space<hbm>> -> memref<232xi32, #tpu.memory_space<hbm>>
    %dma_wait3A_94 = tpu.memref_slice %arg6[%mul3A_71] : memref<928xi32, #tpu.memory_space<hbm>> -> memref<232xi32, #tpu.memory_space<hbm>>
    tpu.wait_dma2 semaphore(%arg22 : memref<!tpu.dma_semaphore, #tpu.memory_space<semaphore_mem>>) src(%dma_wait3A_94 : memref<232xi32, #tpu.memory_space<hbm>>) dst(%arg18 : memref<232xi32, #tpu.memory_space<vmem>>)
    %scan3A = arith.constant 0 : i32
    %scan3A_95 = arith.constant 0 : i32
    %scan3A_96 = arith.constant 64 : i32
    %scan3A_97 = arith.addi %scan3A_95, %scan3A_96 : i32
    %scan3A_98 = arith.constant 1 : i32
    scf.for %scan3A_106 = %scan3A_95 to %scan3A_97 step %scan3A_98  : i32 {
      %mul3A_107 = arith.constant 16 : i32
      %mul3A_108 = arith.muli %scan3A_106, %mul3A_107 : i32
      %get3A = arith.index_cast %mul3A_108 : i32 to index
      %get3A_109 = tpu.vector_load %arg8[%get3A] {strides = array<i32>} : memref<1024xf32, #tpu.memory_space<vmem>>, vector<16xf32>,
      %get3A_110 = arith.index_cast %mul3A_108 : i32 to index
      %get3A_111 = tpu.vector_load %arg9[%get3A_110] {strides = array<i32>} : memref<1024xf32, #tpu.memory_space<vmem>>, vector<16xf32>,
      %div3A_112 = arith.constant 2.240000e+02 : f32
      %div3A_113 = vector.broadcast %div3A_112 : f32 to vector<16xf32>
      %div3A_114 = arith.divf %get3A_109, %div3A_113 : vector<16xf32>
      %div3A_115 = arith.constant 2.240000e+02 : f32
      %div3A_116 = vector.broadcast %div3A_115 : f32 to vector<16xf32>
      %div3A_117 = arith.divf %get3A_111, %div3A_116 : vector<16xf32>
      %convert_element_type3A = arith.fptosi %get3A_109 : vector<16xf32> to vector<16xi32>
      %convert_element_type3A_118 = arith.fptosi %get3A_111 : vector<16xf32> to vector<16xi32>
      %jit3A_119 = arith.constant 0 : i32
      %jit3A_120 = arith.constant 223 : i32
      %max3A = vector.broadcast %jit3A_119 : i32 to vector<16xi32>
      %max3A_121 = arith.maxsi %max3A, %convert_element_type3A_118 : vector<16xi32>
      %min3A = vector.broadcast %jit3A_120 : i32 to vector<16xi32>
      %min3A_122 = arith.minsi %min3A, %max3A_121 : vector<16xi32>
      %jit3A_123 = arith.constant 0 : i32
      %jit3A_124 = arith.constant 223 : i32
      %max3A_125 = vector.broadcast %jit3A_123 : i32 to vector<16xi32>
      %max3A_126 = arith.maxsi %max3A_125, %convert_element_type3A : vector<16xi32>
      %min3A_127 = vector.broadcast %jit3A_124 : i32 to vector<16xi32>
      %min3A_128 = arith.minsi %min3A_127, %max3A_126 : vector<16xi32>
      %gather3A = tpu.vector_load_idx %arg18[%min3A_128] : memref<232xi32, #tpu.memory_space<vmem>>[vector<16xi32>], vector<16xi32>,
      %add3A_129 = arith.constant 532 : i32
      %add3A_130 = vector.broadcast %add3A_129 : i32 to vector<16xi32>
      %add3A_131 = arith.addi %gather3A, %add3A_130 : vector<16xi32>
      %add3A_132 = arith.constant 544 : i32
      %add3A_133 = vector.broadcast %add3A_132 : i32 to vector<16xi32>
      %add3A_134 = arith.addi %gather3A, %add3A_133 : vector<16xi32>
      %broadcast_in_dim3A = arith.constant 0x7F800000 : f32
      %broadcast_in_dim3A_135 = vector.broadcast %broadcast_in_dim3A : f32 to vector<16xf32>
      %broadcast_in_dim3A_136 = arith.constant 0.000000e+00 : f32
      %broadcast_in_dim3A_137 = vector.broadcast %broadcast_in_dim3A_136 : f32 to vector<16xf32>
      %add3A_138 = arith.constant 0 : i32
      %add3A_139 = vector.broadcast %add3A_138 : i32 to vector<16xi32>
      %add3A_140 = arith.addi %add3A_131, %add3A_139 : vector<16xi32>
      %gather3A_141 = tpu.vector_load_idx %arg15[%add3A_140] : memref<1600xf32, #tpu.memory_space<vmem>>[vector<16xi32>], vector<16xf32>,
      %gather3A_142 = tpu.vector_load_idx %arg16[%add3A_140] : memref<1600xf32, #tpu.memory_space<vmem>>[vector<16xi32>], vector<16xf32>,
      %sub3A_143 = arith.subf %div3A_114, %gather3A_141 : vector<16xf32>
      %sub3A_144 = arith.subf %div3A_117, %gather3A_142 : vector<16xf32>
      %mul3A_145 = arith.mulf %sub3A_143, %sub3A_143 : vector<16xf32>
      %mul3A_146 = arith.mulf %sub3A_144, %sub3A_144 : vector<16xf32>
      %add3A_147 = arith.addf %mul3A_145, %mul3A_146 : vector<16xf32>
      %add3A_148 = arith.constant 1 : i32
      %add3A_149 = vector.broadcast %add3A_148 : i32 to vector<16xi32>
      %add3A_150 = arith.addi %add3A_131, %add3A_149 : vector<16xi32>
      %gather3A_151 = tpu.vector_load_idx %arg15[%add3A_150] : memref<1600xf32, #tpu.memory_space<vmem>>[vector<16xi32>], vector<16xf32>,
      %gather3A_152 = tpu.vector_load_idx %arg16[%add3A_150] : memref<1600xf32, #tpu.memory_space<vmem>>[vector<16xi32>], vector<16xf32>,
      %sub3A_153 = arith.subf %div3A_114, %gather3A_151 : vector<16xf32>
      %sub3A_154 = arith.subf %div3A_117, %gather3A_152 : vector<16xf32>
      %mul3A_155 = arith.mulf %sub3A_153, %sub3A_153 : vector<16xf32>
      %mul3A_156 = arith.mulf %sub3A_154, %sub3A_154 : vector<16xf32>
      %add3A_157 = arith.addf %mul3A_155, %mul3A_156 : vector<16xf32>
      %add3A_158 = arith.constant 2 : i32
      %add3A_159 = vector.broadcast %add3A_158 : i32 to vector<16xi32>
      %add3A_160 = arith.addi %add3A_131, %add3A_159 : vector<16xi32>
      %gather3A_161 = tpu.vector_load_idx %arg15[%add3A_160] : memref<1600xf32, #tpu.memory_space<vmem>>[vector<16xi32>], vector<16xf32>,
      %gather3A_162 = tpu.vector_load_idx %arg16[%add3A_160] : memref<1600xf32, #tpu.memory_space<vmem>>[vector<16xi32>], vector<16xf32>,
      %sub3A_163 = arith.subf %div3A_114, %gather3A_161 : vector<16xf32>
      %sub3A_164 = arith.subf %div3A_117, %gather3A_162 : vector<16xf32>
      %mul3A_165 = arith.mulf %sub3A_163, %sub3A_163 : vector<16xf32>
      %mul3A_166 = arith.mulf %sub3A_164, %sub3A_164 : vector<16xf32>
      %add3A_167 = arith.addf %mul3A_165, %mul3A_166 : vector<16xf32>
      %add3A_168 = arith.constant 3 : i32
      %add3A_169 = vector.broadcast %add3A_168 : i32 to vector<16xi32>
      %add3A_170 = arith.addi %add3A_131, %add3A_169 : vector<16xi32>
      %gather3A_171 = tpu.vector_load_idx %arg15[%add3A_170] : memref<1600xf32, #tpu.memory_space<vmem>>[vector<16xi32>], vector<16xf32>,
      %gather3A_172 = tpu.vector_load_idx %arg16[%add3A_170] : memref<1600xf32, #tpu.memory_space<vmem>>[vector<16xi32>], vector<16xf32>,
      %sub3A_173 = arith.subf %div3A_114, %gather3A_171 : vector<16xf32>
      %sub3A_174 = arith.subf %div3A_117, %gather3A_172 : vector<16xf32>
      %mul3A_175 = arith.mulf %sub3A_173, %sub3A_173 : vector<16xf32>
      %mul3A_176 = arith.mulf %sub3A_174, %sub3A_174 : vector<16xf32>
      %add3A_177 = arith.addf %mul3A_175, %mul3A_176 : vector<16xf32>
      %add3A_178 = arith.constant 4 : i32
      %add3A_179 = vector.broadcast %add3A_178 : i32 to vector<16xi32>
      %add3A_180 = arith.addi %add3A_131, %add3A_179 : vector<16xi32>
      %gather3A_181 = tpu.vector_load_idx %arg15[%add3A_180] : memref<1600xf32, #tpu.memory_space<vmem>>[vector<16xi32>], vector<16xf32>,
      %gather3A_182 = tpu.vector_load_idx %arg16[%add3A_180] : memref<1600xf32, #tpu.memory_space<vmem>>[vector<16xi32>], vector<16xf32>,
      %sub3A_183 = arith.subf %div3A_114, %gather3A_181 : vector<16xf32>
      %sub3A_184 = arith.subf %div3A_117, %gather3A_182 : vector<16xf32>
      %mul3A_185 = arith.mulf %sub3A_183, %sub3A_183 : vector<16xf32>
      %mul3A_186 = arith.mulf %sub3A_184, %sub3A_184 : vector<16xf32>
      %add3A_187 = arith.addf %mul3A_185, %mul3A_186 : vector<16xf32>
      %add3A_188 = arith.constant 5 : i32
      %add3A_189 = vector.broadcast %add3A_188 : i32 to vector<16xi32>
      %add3A_190 = arith.addi %add3A_131, %add3A_189 : vector<16xi32>
      %gather3A_191 = tpu.vector_load_idx %arg15[%add3A_190] : memref<1600xf32, #tpu.memory_space<vmem>>[vector<16xi32>], vector<16xf32>,
      %gather3A_192 = tpu.vector_load_idx %arg16[%add3A_190] : memref<1600xf32, #tpu.memory_space<vmem>>[vector<16xi32>], vector<16xf32>,
      %sub3A_193 = arith.subf %div3A_114, %gather3A_191 : vector<16xf32>
      %sub3A_194 = arith.subf %div3A_117, %gather3A_192 : vector<16xf32>
      %mul3A_195 = arith.mulf %sub3A_193, %sub3A_193 : vector<16xf32>
      %mul3A_196 = arith.mulf %sub3A_194, %sub3A_194 : vector<16xf32>
      %add3A_197 = arith.addf %mul3A_195, %mul3A_196 : vector<16xf32>
      %add3A_198 = arith.constant 6 : i32
      %add3A_199 = vector.broadcast %add3A_198 : i32 to vector<16xi32>
      %add3A_200 = arith.addi %add3A_131, %add3A_199 : vector<16xi32>
      %gather3A_201 = tpu.vector_load_idx %arg15[%add3A_200] : memref<1600xf32, #tpu.memory_space<vmem>>[vector<16xi32>], vector<16xf32>,
      %gather3A_202 = tpu.vector_load_idx %arg16[%add3A_200] : memref<1600xf32, #tpu.memory_space<vmem>>[vector<16xi32>], vector<16xf32>,
      %sub3A_203 = arith.subf %div3A_114, %gather3A_201 : vector<16xf32>
      %sub3A_204 = arith.subf %div3A_117, %gather3A_202 : vector<16xf32>
      %mul3A_205 = arith.mulf %sub3A_203, %sub3A_203 : vector<16xf32>
      %mul3A_206 = arith.mulf %sub3A_204, %sub3A_204 : vector<16xf32>
      %add3A_207 = arith.addf %mul3A_205, %mul3A_206 : vector<16xf32>
      %add3A_208 = arith.constant 7 : i32
      %add3A_209 = vector.broadcast %add3A_208 : i32 to vector<16xi32>
      %add3A_210 = arith.addi %add3A_131, %add3A_209 : vector<16xi32>
      %gather3A_211 = tpu.vector_load_idx %arg15[%add3A_210] : memref<1600xf32, #tpu.memory_space<vmem>>[vector<16xi32>], vector<16xf32>,
      %gather3A_212 = tpu.vector_load_idx %arg16[%add3A_210] : memref<1600xf32, #tpu.memory_space<vmem>>[vector<16xi32>], vector<16xf32>,
      %sub3A_213 = arith.subf %div3A_114, %gather3A_211 : vector<16xf32>
      %sub3A_214 = arith.subf %div3A_117, %gather3A_212 : vector<16xf32>
      %mul3A_215 = arith.mulf %sub3A_213, %sub3A_213 : vector<16xf32>
      %mul3A_216 = arith.mulf %sub3A_214, %sub3A_214 : vector<16xf32>
      %add3A_217 = arith.addf %mul3A_215, %mul3A_216 : vector<16xf32>
      %add3A_218 = arith.constant 8 : i32
      %add3A_219 = vector.broadcast %add3A_218 : i32 to vector<16xi32>
      %add3A_220 = arith.addi %add3A_131, %add3A_219 : vector<16xi32>
      %gather3A_221 = tpu.vector_load_idx %arg15[%add3A_220] : memref<1600xf32, #tpu.memory_space<vmem>>[vector<16xi32>], vector<16xf32>,
      %gather3A_222 = tpu.vector_load_idx %arg16[%add3A_220] : memref<1600xf32, #tpu.memory_space<vmem>>[vector<16xi32>], vector<16xf32>,
      %sub3A_223 = arith.subf %div3A_114, %gather3A_221 : vector<16xf32>
      %sub3A_224 = arith.subf %div3A_117, %gather3A_222 : vector<16xf32>
      %mul3A_225 = arith.mulf %sub3A_223, %sub3A_223 : vector<16xf32>
      %mul3A_226 = arith.mulf %sub3A_224, %sub3A_224 : vector<16xf32>
      %add3A_227 = arith.addf %mul3A_225, %mul3A_226 : vector<16xf32>
      %add3A_228 = arith.constant 9 : i32
      %add3A_229 = vector.broadcast %add3A_228 : i32 to vector<16xi32>
      %add3A_230 = arith.addi %add3A_131, %add3A_229 : vector<16xi32>
      %gather3A_231 = tpu.vector_load_idx %arg15[%add3A_230] : memref<1600xf32, #tpu.memory_space<vmem>>[vector<16xi32>], vector<16xf32>,
      %gather3A_232 = tpu.vector_load_idx %arg16[%add3A_230] : memref<1600xf32, #tpu.memory_space<vmem>>[vector<16xi32>], vector<16xf32>,
      %sub3A_233 = arith.subf %div3A_114, %gather3A_231 : vector<16xf32>
      %sub3A_234 = arith.subf %div3A_117, %gather3A_232 : vector<16xf32>
      %mul3A_235 = arith.mulf %sub3A_233, %sub3A_233 : vector<16xf32>
      %mul3A_236 = arith.mulf %sub3A_234, %sub3A_234 : vector<16xf32>
      %add3A_237 = arith.addf %mul3A_235, %mul3A_236 : vector<16xf32>
      %add3A_238 = arith.constant 10 : i32
      %add3A_239 = vector.broadcast %add3A_238 : i32 to vector<16xi32>
      %add3A_240 = arith.addi %add3A_131, %add3A_239 : vector<16xi32>
      %gather3A_241 = tpu.vector_load_idx %arg15[%add3A_240] : memref<1600xf32, #tpu.memory_space<vmem>>[vector<16xi32>], vector<16xf32>,
      %gather3A_242 = tpu.vector_load_idx %arg16[%add3A_240] : memref<1600xf32, #tpu.memory_space<vmem>>[vector<16xi32>], vector<16xf32>,
      %sub3A_243 = arith.subf %div3A_114, %gather3A_241 : vector<16xf32>
      %sub3A_244 = arith.subf %div3A_117, %gather3A_242 : vector<16xf32>
      %mul3A_245 = arith.mulf %sub3A_243, %sub3A_243 : vector<16xf32>
      %mul3A_246 = arith.mulf %sub3A_244, %sub3A_244 : vector<16xf32>
      %add3A_247 = arith.addf %mul3A_245, %mul3A_246 : vector<16xf32>
      %add3A_248 = arith.constant 11 : i32
      %add3A_249 = vector.broadcast %add3A_248 : i32 to vector<16xi32>
      %add3A_250 = arith.addi %add3A_131, %add3A_249 : vector<16xi32>
      %gather3A_251 = tpu.vector_load_idx %arg15[%add3A_250] : memref<1600xf32, #tpu.memory_space<vmem>>[vector<16xi32>], vector<16xf32>,
      %gather3A_252 = tpu.vector_load_idx %arg16[%add3A_250] : memref<1600xf32, #tpu.memory_space<vmem>>[vector<16xi32>], vector<16xf32>,
      %sub3A_253 = arith.subf %div3A_114, %gather3A_251 : vector<16xf32>
      %sub3A_254 = arith.subf %div3A_117, %gather3A_252 : vector<16xf32>
      %mul3A_255 = arith.mulf %sub3A_253, %sub3A_253 : vector<16xf32>
      %mul3A_256 = arith.mulf %sub3A_254, %sub3A_254 : vector<16xf32>
      %add3A_257 = arith.addf %mul3A_255, %mul3A_256 : vector<16xf32>
      %add3A_258 = arith.constant 0 : i32
      %add3A_259 = vector.broadcast %add3A_258 : i32 to vector<16xi32>
      %add3A_260 = arith.addi %add3A_134, %add3A_259 : vector<16xi32>
      %gather3A_261 = tpu.vector_load_idx %arg15[%add3A_260] : memref<1600xf32, #tpu.memory_space<vmem>>[vector<16xi32>], vector<16xf32>,
      %gather3A_262 = tpu.vector_load_idx %arg16[%add3A_260] : memref<1600xf32, #tpu.memory_space<vmem>>[vector<16xi32>], vector<16xf32>,
      %sub3A_263 = arith.subf %div3A_114, %gather3A_261 : vector<16xf32>
      %sub3A_264 = arith.subf %div3A_117, %gather3A_262 : vector<16xf32>
      %mul3A_265 = arith.mulf %sub3A_263, %sub3A_263 : vector<16xf32>
      %mul3A_266 = arith.mulf %sub3A_264, %sub3A_264 : vector<16xf32>
      %add3A_267 = arith.addf %mul3A_265, %mul3A_266 : vector<16xf32>
      %add3A_268 = arith.constant 1 : i32
      %add3A_269 = vector.broadcast %add3A_268 : i32 to vector<16xi32>
      %add3A_270 = arith.addi %add3A_134, %add3A_269 : vector<16xi32>
      %gather3A_271 = tpu.vector_load_idx %arg15[%add3A_270] : memref<1600xf32, #tpu.memory_space<vmem>>[vector<16xi32>], vector<16xf32>,
      %gather3A_272 = tpu.vector_load_idx %arg16[%add3A_270] : memref<1600xf32, #tpu.memory_space<vmem>>[vector<16xi32>], vector<16xf32>,
      %sub3A_273 = arith.subf %div3A_114, %gather3A_271 : vector<16xf32>
      %sub3A_274 = arith.subf %div3A_117, %gather3A_272 : vector<16xf32>
      %mul3A_275 = arith.mulf %sub3A_273, %sub3A_273 : vector<16xf32>
      %mul3A_276 = arith.mulf %sub3A_274, %sub3A_274 : vector<16xf32>
      %add3A_277 = arith.addf %mul3A_275, %mul3A_276 : vector<16xf32>
      %add3A_278 = arith.constant 2 : i32
      %add3A_279 = vector.broadcast %add3A_278 : i32 to vector<16xi32>
      %add3A_280 = arith.addi %add3A_134, %add3A_279 : vector<16xi32>
      %gather3A_281 = tpu.vector_load_idx %arg15[%add3A_280] : memref<1600xf32, #tpu.memory_space<vmem>>[vector<16xi32>], vector<16xf32>,
      %gather3A_282 = tpu.vector_load_idx %arg16[%add3A_280] : memref<1600xf32, #tpu.memory_space<vmem>>[vector<16xi32>], vector<16xf32>,
      %sub3A_283 = arith.subf %div3A_114, %gather3A_281 : vector<16xf32>
      %sub3A_284 = arith.subf %div3A_117, %gather3A_282 : vector<16xf32>
      %mul3A_285 = arith.mulf %sub3A_283, %sub3A_283 : vector<16xf32>
      %mul3A_286 = arith.mulf %sub3A_284, %sub3A_284 : vector<16xf32>
      %add3A_287 = arith.addf %mul3A_285, %mul3A_286 : vector<16xf32>
      %add3A_288 = arith.constant 3 : i32
      %add3A_289 = vector.broadcast %add3A_288 : i32 to vector<16xi32>
      %add3A_290 = arith.addi %add3A_134, %add3A_289 : vector<16xi32>
      %gather3A_291 = tpu.vector_load_idx %arg15[%add3A_290] : memref<1600xf32, #tpu.memory_space<vmem>>[vector<16xi32>], vector<16xf32>,
      %gather3A_292 = tpu.vector_load_idx %arg16[%add3A_290] : memref<1600xf32, #tpu.memory_space<vmem>>[vector<16xi32>], vector<16xf32>,
      %sub3A_293 = arith.subf %div3A_114, %gather3A_291 : vector<16xf32>
      %sub3A_294 = arith.subf %div3A_117, %gather3A_292 : vector<16xf32>
      %mul3A_295 = arith.mulf %sub3A_293, %sub3A_293 : vector<16xf32>
      %mul3A_296 = arith.mulf %sub3A_294, %sub3A_294 : vector<16xf32>
      %add3A_297 = arith.addf %mul3A_295, %mul3A_296 : vector<16xf32>
      %add3A_298 = arith.constant 4 : i32
      %add3A_299 = vector.broadcast %add3A_298 : i32 to vector<16xi32>
      %add3A_300 = arith.addi %add3A_134, %add3A_299 : vector<16xi32>
      %gather3A_301 = tpu.vector_load_idx %arg15[%add3A_300] : memref<1600xf32, #tpu.memory_space<vmem>>[vector<16xi32>], vector<16xf32>,
      %gather3A_302 = tpu.vector_load_idx %arg16[%add3A_300] : memref<1600xf32, #tpu.memory_space<vmem>>[vector<16xi32>], vector<16xf32>,
      %sub3A_303 = arith.subf %div3A_114, %gather3A_301 : vector<16xf32>
      %sub3A_304 = arith.subf %div3A_117, %gather3A_302 : vector<16xf32>
      %mul3A_305 = arith.mulf %sub3A_303, %sub3A_303 : vector<16xf32>
      %mul3A_306 = arith.mulf %sub3A_304, %sub3A_304 : vector<16xf32>
      %add3A_307 = arith.addf %mul3A_305, %mul3A_306 : vector<16xf32>
      %add3A_308 = arith.constant 5 : i32
      %add3A_309 = vector.broadcast %add3A_308 : i32 to vector<16xi32>
      %add3A_310 = arith.addi %add3A_134, %add3A_309 : vector<16xi32>
      %gather3A_311 = tpu.vector_load_idx %arg15[%add3A_310] : memref<1600xf32, #tpu.memory_space<vmem>>[vector<16xi32>], vector<16xf32>,
      %gather3A_312 = tpu.vector_load_idx %arg16[%add3A_310] : memref<1600xf32, #tpu.memory_space<vmem>>[vector<16xi32>], vector<16xf32>,
      %sub3A_313 = arith.subf %div3A_114, %gather3A_311 : vector<16xf32>
      %sub3A_314 = arith.subf %div3A_117, %gather3A_312 : vector<16xf32>
      %mul3A_315 = arith.mulf %sub3A_313, %sub3A_313 : vector<16xf32>
      %mul3A_316 = arith.mulf %sub3A_314, %sub3A_314 : vector<16xf32>
      %add3A_317 = arith.addf %mul3A_315, %mul3A_316 : vector<16xf32>
      %add3A_318 = arith.constant 6 : i32
      %add3A_319 = vector.broadcast %add3A_318 : i32 to vector<16xi32>
      %add3A_320 = arith.addi %add3A_134, %add3A_319 : vector<16xi32>
      %gather3A_321 = tpu.vector_load_idx %arg15[%add3A_320] : memref<1600xf32, #tpu.memory_space<vmem>>[vector<16xi32>], vector<16xf32>,
      %gather3A_322 = tpu.vector_load_idx %arg16[%add3A_320] : memref<1600xf32, #tpu.memory_space<vmem>>[vector<16xi32>], vector<16xf32>,
      %sub3A_323 = arith.subf %div3A_114, %gather3A_321 : vector<16xf32>
      %sub3A_324 = arith.subf %div3A_117, %gather3A_322 : vector<16xf32>
      %mul3A_325 = arith.mulf %sub3A_323, %sub3A_323 : vector<16xf32>
      %mul3A_326 = arith.mulf %sub3A_324, %sub3A_324 : vector<16xf32>
      %add3A_327 = arith.addf %mul3A_325, %mul3A_326 : vector<16xf32>
      %add3A_328 = arith.constant 7 : i32
      %add3A_329 = vector.broadcast %add3A_328 : i32 to vector<16xi32>
      %add3A_330 = arith.addi %add3A_134, %add3A_329 : vector<16xi32>
      %gather3A_331 = tpu.vector_load_idx %arg15[%add3A_330] : memref<1600xf32, #tpu.memory_space<vmem>>[vector<16xi32>], vector<16xf32>,
      %gather3A_332 = tpu.vector_load_idx %arg16[%add3A_330] : memref<1600xf32, #tpu.memory_space<vmem>>[vector<16xi32>], vector<16xf32>,
      %sub3A_333 = arith.subf %div3A_114, %gather3A_331 : vector<16xf32>
      %sub3A_334 = arith.subf %div3A_117, %gather3A_332 : vector<16xf32>
      %mul3A_335 = arith.mulf %sub3A_333, %sub3A_333 : vector<16xf32>
      %mul3A_336 = arith.mulf %sub3A_334, %sub3A_334 : vector<16xf32>
      %add3A_337 = arith.addf %mul3A_335, %mul3A_336 : vector<16xf32>
      %add3A_338 = arith.constant 8 : i32
      %add3A_339 = vector.broadcast %add3A_338 : i32 to vector<16xi32>
      %add3A_340 = arith.addi %add3A_134, %add3A_339 : vector<16xi32>
      %gather3A_341 = tpu.vector_load_idx %arg15[%add3A_340] : memref<1600xf32, #tpu.memory_space<vmem>>[vector<16xi32>], vector<16xf32>,
      %gather3A_342 = tpu.vector_load_idx %arg16[%add3A_340] : memref<1600xf32, #tpu.memory_space<vmem>>[vector<16xi32>], vector<16xf32>,
      %sub3A_343 = arith.subf %div3A_114, %gather3A_341 : vector<16xf32>
      %sub3A_344 = arith.subf %div3A_117, %gather3A_342 : vector<16xf32>
      %mul3A_345 = arith.mulf %sub3A_343, %sub3A_343 : vector<16xf32>
      %mul3A_346 = arith.mulf %sub3A_344, %sub3A_344 : vector<16xf32>
      %add3A_347 = arith.addf %mul3A_345, %mul3A_346 : vector<16xf32>
      %add3A_348 = arith.constant 9 : i32
      %add3A_349 = vector.broadcast %add3A_348 : i32 to vector<16xi32>
      %add3A_350 = arith.addi %add3A_134, %add3A_349 : vector<16xi32>
      %gather3A_351 = tpu.vector_load_idx %arg15[%add3A_350] : memref<1600xf32, #tpu.memory_space<vmem>>[vector<16xi32>], vector<16xf32>,
      %gather3A_352 = tpu.vector_load_idx %arg16[%add3A_350] : memref<1600xf32, #tpu.memory_space<vmem>>[vector<16xi32>], vector<16xf32>,
      %sub3A_353 = arith.subf %div3A_114, %gather3A_351 : vector<16xf32>
      %sub3A_354 = arith.subf %div3A_117, %gather3A_352 : vector<16xf32>
      %mul3A_355 = arith.mulf %sub3A_353, %sub3A_353 : vector<16xf32>
      %mul3A_356 = arith.mulf %sub3A_354, %sub3A_354 : vector<16xf32>
      %add3A_357 = arith.addf %mul3A_355, %mul3A_356 : vector<16xf32>
      %add3A_358 = arith.constant 10 : i32
      %add3A_359 = vector.broadcast %add3A_358 : i32 to vector<16xi32>
      %add3A_360 = arith.addi %add3A_134, %add3A_359 : vector<16xi32>
      %gather3A_361 = tpu.vector_load_idx %arg15[%add3A_360] : memref<1600xf32, #tpu.memory_space<vmem>>[vector<16xi32>], vector<16xf32>,
      %gather3A_362 = tpu.vector_load_idx %arg16[%add3A_360] : memref<1600xf32, #tpu.memory_space<vmem>>[vector<16xi32>], vector<16xf32>,
      %sub3A_363 = arith.subf %div3A_114, %gather3A_361 : vector<16xf32>
      %sub3A_364 = arith.subf %div3A_117, %gather3A_362 : vector<16xf32>
      %mul3A_365 = arith.mulf %sub3A_363, %sub3A_363 : vector<16xf32>
      %mul3A_366 = arith.mulf %sub3A_364, %sub3A_364 : vector<16xf32>
      %add3A_367 = arith.addf %mul3A_365, %mul3A_366 : vector<16xf32>
      %add3A_368 = arith.constant 11 : i32
      %add3A_369 = vector.broadcast %add3A_368 : i32 to vector<16xi32>
      %add3A_370 = arith.addi %add3A_134, %add3A_369 : vector<16xi32>
      %gather3A_371 = tpu.vector_load_idx %arg15[%add3A_370] : memref<1600xf32, #tpu.memory_space<vmem>>[vector<16xi32>], vector<16xf32>,
      %gather3A_372 = tpu.vector_load_idx %arg16[%add3A_370] : memref<1600xf32, #tpu.memory_space<vmem>>[vector<16xi32>], vector<16xf32>,
      %sub3A_373 = arith.subf %div3A_114, %gather3A_371 : vector<16xf32>
      %sub3A_374 = arith.subf %div3A_117, %gather3A_372 : vector<16xf32>
      %mul3A_375 = arith.mulf %sub3A_373, %sub3A_373 : vector<16xf32>
      %mul3A_376 = arith.mulf %sub3A_374, %sub3A_374 : vector<16xf32>
      %add3A_377 = arith.addf %mul3A_375, %mul3A_376 : vector<16xf32>
      %neg3A = arith.constant 0.000000e+00 : f32
      %neg3A_378 = vector.broadcast %neg3A : f32 to vector<16xf32>
      %neg3A_379 = arith.subf %neg3A_378, %sub3A_373 : vector<16xf32>
      %lt3A = arith.cmpf olt, %add3A_157, %add3A_147 : vector<16xf32>
      %select_n3A_380 = arith.select %lt3A, %add3A_157, %add3A_147 : vector<16xi1>, vector<16xf32>
      %select_n3A_381 = arith.select %lt3A, %add3A_150, %add3A_140 : vector<16xi1>, vector<16xi32>
      %lt3A_382 = arith.cmpf olt, %add3A_177, %add3A_167 : vector<16xf32>
      %select_n3A_383 = arith.select %lt3A_382, %add3A_177, %add3A_167 : vector<16xi1>, vector<16xf32>
      %select_n3A_384 = arith.select %lt3A_382, %add3A_170, %add3A_160 : vector<16xi1>, vector<16xi32>
      %lt3A_385 = arith.cmpf olt, %add3A_197, %add3A_187 : vector<16xf32>
      %select_n3A_386 = arith.select %lt3A_385, %add3A_197, %add3A_187 : vector<16xi1>, vector<16xf32>
      %select_n3A_387 = arith.select %lt3A_385, %add3A_190, %add3A_180 : vector<16xi1>, vector<16xi32>
      %lt3A_388 = arith.cmpf olt, %add3A_217, %add3A_207 : vector<16xf32>
      %select_n3A_389 = arith.select %lt3A_388, %add3A_217, %add3A_207 : vector<16xi1>, vector<16xf32>
      %select_n3A_390 = arith.select %lt3A_388, %add3A_210, %add3A_200 : vector<16xi1>, vector<16xi32>
      %lt3A_391 = arith.cmpf olt, %add3A_237, %add3A_227 : vector<16xf32>
      %select_n3A_392 = arith.select %lt3A_391, %add3A_237, %add3A_227 : vector<16xi1>, vector<16xf32>
      %select_n3A_393 = arith.select %lt3A_391, %add3A_230, %add3A_220 : vector<16xi1>, vector<16xi32>
      %lt3A_394 = arith.cmpf olt, %add3A_257, %add3A_247 : vector<16xf32>
      %select_n3A_395 = arith.select %lt3A_394, %add3A_257, %add3A_247 : vector<16xi1>, vector<16xf32>
      %select_n3A_396 = arith.select %lt3A_394, %add3A_250, %add3A_240 : vector<16xi1>, vector<16xi32>
      %lt3A_397 = arith.cmpf olt, %add3A_277, %add3A_267 : vector<16xf32>
      %select_n3A_398 = arith.select %lt3A_397, %add3A_277, %add3A_267 : vector<16xi1>, vector<16xf32>
      %select_n3A_399 = arith.select %lt3A_397, %add3A_270, %add3A_260 : vector<16xi1>, vector<16xi32>
      %lt3A_400 = arith.cmpf olt, %add3A_297, %add3A_287 : vector<16xf32>
      %select_n3A_401 = arith.select %lt3A_400, %add3A_297, %add3A_287 : vector<16xi1>, vector<16xf32>
      %select_n3A_402 = arith.select %lt3A_400, %add3A_290, %add3A_280 : vector<16xi1>, vector<16xi32>
      %lt3A_403 = arith.cmpf olt, %add3A_317, %add3A_307 : vector<16xf32>
      %select_n3A_404 = arith.select %lt3A_403, %add3A_317, %add3A_307 : vector<16xi1>, vector<16xf32>
      %select_n3A_405 = arith.select %lt3A_403, %add3A_310, %add3A_300 : vector<16xi1>, vector<16xi32>
      %lt3A_406 = arith.cmpf olt, %add3A_337, %add3A_327 : vector<16xf32>
      %select_n3A_407 = arith.select %lt3A_406, %add3A_337, %add3A_327 : vector<16xi1>, vector<16xf32>
      %select_n3A_408 = arith.select %lt3A_406, %add3A_330, %add3A_320 : vector<16xi1>, vector<16xi32>
      %lt3A_409 = arith.cmpf olt, %add3A_357, %add3A_347 : vector<16xf32>
      %select_n3A_410 = arith.select %lt3A_409, %add3A_357, %add3A_347 : vector<16xi1>, vector<16xf32>
      %select_n3A_411 = arith.select %lt3A_409, %add3A_350, %add3A_340 : vector<16xi1>, vector<16xi32>
      %lt3A_412 = arith.cmpf olt, %add3A_377, %add3A_367 : vector<16xf32>
      %select_n3A_413 = arith.select %lt3A_412, %add3A_377, %add3A_367 : vector<16xi1>, vector<16xf32>
      %select_n3A_414 = arith.select %lt3A_412, %add3A_370, %add3A_360 : vector<16xi1>, vector<16xi32>
      %lt3A_415 = arith.cmpf olt, %select_n3A_383, %select_n3A_380 : vector<16xf32>
      %select_n3A_416 = arith.select %lt3A_415, %select_n3A_383, %select_n3A_380 : vector<16xi1>, vector<16xf32>
      %select_n3A_417 = arith.select %lt3A_415, %select_n3A_384, %select_n3A_381 : vector<16xi1>, vector<16xi32>
      %lt3A_418 = arith.cmpf olt, %select_n3A_389, %select_n3A_386 : vector<16xf32>
      %select_n3A_419 = arith.select %lt3A_418, %select_n3A_389, %select_n3A_386 : vector<16xi1>, vector<16xf32>
      %select_n3A_420 = arith.select %lt3A_418, %select_n3A_390, %select_n3A_387 : vector<16xi1>, vector<16xi32>
      %lt3A_421 = arith.cmpf olt, %select_n3A_395, %select_n3A_392 : vector<16xf32>
      %select_n3A_422 = arith.select %lt3A_421, %select_n3A_395, %select_n3A_392 : vector<16xi1>, vector<16xf32>
      %select_n3A_423 = arith.select %lt3A_421, %select_n3A_396, %select_n3A_393 : vector<16xi1>, vector<16xi32>
      %lt3A_424 = arith.cmpf olt, %select_n3A_401, %select_n3A_398 : vector<16xf32>
      %select_n3A_425 = arith.select %lt3A_424, %select_n3A_401, %select_n3A_398 : vector<16xi1>, vector<16xf32>
      %select_n3A_426 = arith.select %lt3A_424, %select_n3A_402, %select_n3A_399 : vector<16xi1>, vector<16xi32>
      %lt3A_427 = arith.cmpf olt, %select_n3A_407, %select_n3A_404 : vector<16xf32>
      %select_n3A_428 = arith.select %lt3A_427, %select_n3A_407, %select_n3A_404 : vector<16xi1>, vector<16xf32>
      %select_n3A_429 = arith.select %lt3A_427, %select_n3A_408, %select_n3A_405 : vector<16xi1>, vector<16xi32>
      %lt3A_430 = arith.cmpf olt, %select_n3A_413, %select_n3A_410 : vector<16xf32>
      %select_n3A_431 = arith.select %lt3A_430, %select_n3A_413, %select_n3A_410 : vector<16xi1>, vector<16xf32>
      %select_n3A_432 = arith.select %lt3A_430, %select_n3A_414, %select_n3A_411 : vector<16xi1>, vector<16xi32>
      %lt3A_433 = arith.cmpf olt, %select_n3A_419, %select_n3A_416 : vector<16xf32>
      %select_n3A_434 = arith.select %lt3A_433, %select_n3A_419, %select_n3A_416 : vector<16xi1>, vector<16xf32>
      %select_n3A_435 = arith.select %lt3A_433, %select_n3A_420, %select_n3A_417 : vector<16xi1>, vector<16xi32>
      %lt3A_436 = arith.cmpf olt, %select_n3A_425, %select_n3A_422 : vector<16xf32>
      %select_n3A_437 = arith.select %lt3A_436, %select_n3A_425, %select_n3A_422 : vector<16xi1>, vector<16xf32>
      %select_n3A_438 = arith.select %lt3A_436, %select_n3A_426, %select_n3A_423 : vector<16xi1>, vector<16xi32>
      %lt3A_439 = arith.cmpf olt, %select_n3A_431, %select_n3A_428 : vector<16xf32>
      %select_n3A_440 = arith.select %lt3A_439, %select_n3A_431, %select_n3A_428 : vector<16xi1>, vector<16xf32>
      %select_n3A_441 = arith.select %lt3A_439, %select_n3A_432, %select_n3A_429 : vector<16xi1>, vector<16xi32>
      %lt3A_442 = arith.cmpf olt, %select_n3A_437, %select_n3A_434 : vector<16xf32>
      %select_n3A_443 = arith.select %lt3A_442, %select_n3A_437, %select_n3A_434 : vector<16xi1>, vector<16xf32>
      %select_n3A_444 = arith.select %lt3A_442, %select_n3A_438, %select_n3A_435 : vector<16xi1>, vector<16xi32>
      %lt3A_445 = arith.cmpf olt, %select_n3A_440, %select_n3A_443 : vector<16xf32>
      %select_n3A_446 = arith.select %lt3A_445, %select_n3A_440, %select_n3A_443 : vector<16xi1>, vector<16xf32>
      %select_n3A_447 = arith.select %lt3A_445, %select_n3A_441, %select_n3A_444 : vector<16xi1>, vector<16xi32>
      %lt3A_448 = arith.cmpf olt, %select_n3A_446, %broadcast_in_dim3A_135 : vector<16xf32>
      %select_n3A_449 = arith.select %lt3A_448, %select_n3A_446, %broadcast_in_dim3A_135 : vector<16xi1>, vector<16xf32>
      %select_n3A_450 = arith.select %lt3A_448, %select_n3A_447, %add3A_134 : vector<16xi1>, vector<16xi32>
      %sub3A_451 = arith.constant 12 : i32
      %sub3A_452 = vector.broadcast %sub3A_451 : i32 to vector<16xi32>
      %sub3A_453 = arith.subi %add3A_131, %sub3A_452 : vector<16xi32>
      %add3A_454 = arith.constant 12 : i32
      %add3A_455 = vector.broadcast %add3A_454 : i32 to vector<16xi32>
      %add3A_456 = arith.addi %add3A_134, %add3A_455 : vector<16xi32>
      %while3A:6 = scf.while (%while3A_536 = %sub3A_453, %while3A_537 = %add3A_456, %while3A_538 = %select_n3A_449, %while3A_539 = %select_n3A_450, %while3A_540 = %sub3A_143, %while3A_541 = %neg3A_379) : (vector<16xi32>, vector<16xi32>, vector<16xf32>, vector<16xi32>, vector<16xf32>, vector<16xf32>) -> (vector<16xi32>, vector<16xi32>, vector<16xf32>, vector<16xi32>, vector<16xf32>, vector<16xf32>) {
        %min3A_542 = arith.minimumf %while3A_540, %while3A_541 : vector<16xf32>
        %mul3A_543 = arith.mulf %min3A_542, %min3A_542 : vector<16xf32>
        %le3A = arith.cmpf ole, %mul3A_543, %while3A_538 : vector<16xf32>
        %jit3A_544 = arith.constant 1 : i32
        %jit3A_545 = arith.constant 0 : i32
        %broadcast_in_dim3A_546 = vector.broadcast %jit3A_544 : i32 to vector<16xi32>
        %broadcast_in_dim3A_547 = vector.broadcast %jit3A_545 : i32 to vector<16xi32>
        %select_n3A_548 = arith.select %le3A, %broadcast_in_dim3A_546, %broadcast_in_dim3A_547 : vector<16xi1>, vector<16xi32>
        %reduce_max3A = arith.constant true
        %reduce_max3A_549 = vector.broadcast %reduce_max3A : i1 to vector<16xi1>
        %reduce_max3A_550 = arith.constant -2147483648 : i32
        %reduce_max3A_551 = vector.broadcast %reduce_max3A_550 : i32 to vector<16xi32>
        %reduce_max3A_552 = arith.xori %select_n3A_548, %reduce_max3A_551 : vector<16xi32>
        %reduce_max3A_553 = tpu.scan <max>, %reduce_max3A_552 masked %reduce_max3A_549 : vector<16xi32>, vector<16xi1> -> vector<16xi32>
        %reduce_max3A_554 = arith.xori %reduce_max3A_553, %reduce_max3A_551 : vector<16xi32>
        %reduce_max3A_555 = vector.extract %reduce_max3A_554[15] : i32 from vector<16xi32>
        %gt3A = arith.constant 0 : i32
        %gt3A_556 = arith.cmpi sgt, %reduce_max3A_555, %gt3A : i32
        scf.condition(%gt3A_556) %while3A_536, %while3A_537, %while3A_538, %while3A_539, %while3A_540, %while3A_541 : vector<16xi32>, vector<16xi32>, vector<16xf32>, vector<16xi32>, vector<16xf32>, vector<16xf32>
      } do {
      ^bb0(%while3A_536: vector<16xi32>, %while3A_537: vector<16xi32>, %while3A_538: vector<16xf32>, %while3A_539: vector<16xi32>, %while3A_540: vector<16xf32>, %while3A_541: vector<16xf32>):
        %add3A_542 = arith.constant 0 : i32
        %add3A_543 = vector.broadcast %add3A_542 : i32 to vector<16xi32>
        %add3A_544 = arith.addi %while3A_536, %add3A_543 : vector<16xi32>
        %gather3A_545 = tpu.vector_load_idx %arg15[%add3A_544] : memref<1600xf32, #tpu.memory_space<vmem>>[vector<16xi32>], vector<16xf32>,
        %gather3A_546 = tpu.vector_load_idx %arg16[%add3A_544] : memref<1600xf32, #tpu.memory_space<vmem>>[vector<16xi32>], vector<16xf32>,
        %sub3A_547 = arith.subf %div3A_114, %gather3A_545 : vector<16xf32>
        %sub3A_548 = arith.subf %div3A_117, %gather3A_546 : vector<16xf32>
        %mul3A_549 = arith.mulf %sub3A_547, %sub3A_547 : vector<16xf32>
        %mul3A_550 = arith.mulf %sub3A_548, %sub3A_548 : vector<16xf32>
        %add3A_551 = arith.addf %mul3A_549, %mul3A_550 : vector<16xf32>
        %add3A_552 = arith.constant 1 : i32
        %add3A_553 = vector.broadcast %add3A_552 : i32 to vector<16xi32>
        %add3A_554 = arith.addi %while3A_536, %add3A_553 : vector<16xi32>
        %gather3A_555 = tpu.vector_load_idx %arg15[%add3A_554] : memref<1600xf32, #tpu.memory_space<vmem>>[vector<16xi32>], vector<16xf32>,
        %gather3A_556 = tpu.vector_load_idx %arg16[%add3A_554] : memref<1600xf32, #tpu.memory_space<vmem>>[vector<16xi32>], vector<16xf32>,
        %sub3A_557 = arith.subf %div3A_114, %gather3A_555 : vector<16xf32>
        %sub3A_558 = arith.subf %div3A_117, %gather3A_556 : vector<16xf32>
        %mul3A_559 = arith.mulf %sub3A_557, %sub3A_557 : vector<16xf32>
        %mul3A_560 = arith.mulf %sub3A_558, %sub3A_558 : vector<16xf32>
        %add3A_561 = arith.addf %mul3A_559, %mul3A_560 : vector<16xf32>
        %add3A_562 = arith.constant 2 : i32
        %add3A_563 = vector.broadcast %add3A_562 : i32 to vector<16xi32>
        %add3A_564 = arith.addi %while3A_536, %add3A_563 : vector<16xi32>
        %gather3A_565 = tpu.vector_load_idx %arg15[%add3A_564] : memref<1600xf32, #tpu.memory_space<vmem>>[vector<16xi32>], vector<16xf32>,
        %gather3A_566 = tpu.vector_load_idx %arg16[%add3A_564] : memref<1600xf32, #tpu.memory_space<vmem>>[vector<16xi32>], vector<16xf32>,
        %sub3A_567 = arith.subf %div3A_114, %gather3A_565 : vector<16xf32>
        %sub3A_568 = arith.subf %div3A_117, %gather3A_566 : vector<16xf32>
        %mul3A_569 = arith.mulf %sub3A_567, %sub3A_567 : vector<16xf32>
        %mul3A_570 = arith.mulf %sub3A_568, %sub3A_568 : vector<16xf32>
        %add3A_571 = arith.addf %mul3A_569, %mul3A_570 : vector<16xf32>
        %add3A_572 = arith.constant 3 : i32
        %add3A_573 = vector.broadcast %add3A_572 : i32 to vector<16xi32>
        %add3A_574 = arith.addi %while3A_536, %add3A_573 : vector<16xi32>
        %gather3A_575 = tpu.vector_load_idx %arg15[%add3A_574] : memref<1600xf32, #tpu.memory_space<vmem>>[vector<16xi32>], vector<16xf32>,
        %gather3A_576 = tpu.vector_load_idx %arg16[%add3A_574] : memref<1600xf32, #tpu.memory_space<vmem>>[vector<16xi32>], vector<16xf32>,
        %sub3A_577 = arith.subf %div3A_114, %gather3A_575 : vector<16xf32>
        %sub3A_578 = arith.subf %div3A_117, %gather3A_576 : vector<16xf32>
        %mul3A_579 = arith.mulf %sub3A_577, %sub3A_577 : vector<16xf32>
        %mul3A_580 = arith.mulf %sub3A_578, %sub3A_578 : vector<16xf32>
        %add3A_581 = arith.addf %mul3A_579, %mul3A_580 : vector<16xf32>
        %add3A_582 = arith.constant 4 : i32
        %add3A_583 = vector.broadcast %add3A_582 : i32 to vector<16xi32>
        %add3A_584 = arith.addi %while3A_536, %add3A_583 : vector<16xi32>
        %gather3A_585 = tpu.vector_load_idx %arg15[%add3A_584] : memref<1600xf32, #tpu.memory_space<vmem>>[vector<16xi32>], vector<16xf32>,
        %gather3A_586 = tpu.vector_load_idx %arg16[%add3A_584] : memref<1600xf32, #tpu.memory_space<vmem>>[vector<16xi32>], vector<16xf32>,
        %sub3A_587 = arith.subf %div3A_114, %gather3A_585 : vector<16xf32>
        %sub3A_588 = arith.subf %div3A_117, %gather3A_586 : vector<16xf32>
        %mul3A_589 = arith.mulf %sub3A_587, %sub3A_587 : vector<16xf32>
        %mul3A_590 = arith.mulf %sub3A_588, %sub3A_588 : vector<16xf32>
        %add3A_591 = arith.addf %mul3A_589, %mul3A_590 : vector<16xf32>
        %add3A_592 = arith.constant 5 : i32
        %add3A_593 = vector.broadcast %add3A_592 : i32 to vector<16xi32>
        %add3A_594 = arith.addi %while3A_536, %add3A_593 : vector<16xi32>
        %gather3A_595 = tpu.vector_load_idx %arg15[%add3A_594] : memref<1600xf32, #tpu.memory_space<vmem>>[vector<16xi32>], vector<16xf32>,
        %gather3A_596 = tpu.vector_load_idx %arg16[%add3A_594] : memref<1600xf32, #tpu.memory_space<vmem>>[vector<16xi32>], vector<16xf32>,
        %sub3A_597 = arith.subf %div3A_114, %gather3A_595 : vector<16xf32>
        %sub3A_598 = arith.subf %div3A_117, %gather3A_596 : vector<16xf32>
        %mul3A_599 = arith.mulf %sub3A_597, %sub3A_597 : vector<16xf32>
        %mul3A_600 = arith.mulf %sub3A_598, %sub3A_598 : vector<16xf32>
        %add3A_601 = arith.addf %mul3A_599, %mul3A_600 : vector<16xf32>
        %add3A_602 = arith.constant 6 : i32
        %add3A_603 = vector.broadcast %add3A_602 : i32 to vector<16xi32>
        %add3A_604 = arith.addi %while3A_536, %add3A_603 : vector<16xi32>
        %gather3A_605 = tpu.vector_load_idx %arg15[%add3A_604] : memref<1600xf32, #tpu.memory_space<vmem>>[vector<16xi32>], vector<16xf32>,
        %gather3A_606 = tpu.vector_load_idx %arg16[%add3A_604] : memref<1600xf32, #tpu.memory_space<vmem>>[vector<16xi32>], vector<16xf32>,
        %sub3A_607 = arith.subf %div3A_114, %gather3A_605 : vector<16xf32>
        %sub3A_608 = arith.subf %div3A_117, %gather3A_606 : vector<16xf32>
        %mul3A_609 = arith.mulf %sub3A_607, %sub3A_607 : vector<16xf32>
        %mul3A_610 = arith.mulf %sub3A_608, %sub3A_608 : vector<16xf32>
        %add3A_611 = arith.addf %mul3A_609, %mul3A_610 : vector<16xf32>
        %add3A_612 = arith.constant 7 : i32
        %add3A_613 = vector.broadcast %add3A_612 : i32 to vector<16xi32>
        %add3A_614 = arith.addi %while3A_536, %add3A_613 : vector<16xi32>
        %gather3A_615 = tpu.vector_load_idx %arg15[%add3A_614] : memref<1600xf32, #tpu.memory_space<vmem>>[vector<16xi32>], vector<16xf32>,
        %gather3A_616 = tpu.vector_load_idx %arg16[%add3A_614] : memref<1600xf32, #tpu.memory_space<vmem>>[vector<16xi32>], vector<16xf32>,
        %sub3A_617 = arith.subf %div3A_114, %gather3A_615 : vector<16xf32>
        %sub3A_618 = arith.subf %div3A_117, %gather3A_616 : vector<16xf32>
        %mul3A_619 = arith.mulf %sub3A_617, %sub3A_617 : vector<16xf32>
        %mul3A_620 = arith.mulf %sub3A_618, %sub3A_618 : vector<16xf32>
        %add3A_621 = arith.addf %mul3A_619, %mul3A_620 : vector<16xf32>
        %add3A_622 = arith.constant 8 : i32
        %add3A_623 = vector.broadcast %add3A_622 : i32 to vector<16xi32>
        %add3A_624 = arith.addi %while3A_536, %add3A_623 : vector<16xi32>
        %gather3A_625 = tpu.vector_load_idx %arg15[%add3A_624] : memref<1600xf32, #tpu.memory_space<vmem>>[vector<16xi32>], vector<16xf32>,
        %gather3A_626 = tpu.vector_load_idx %arg16[%add3A_624] : memref<1600xf32, #tpu.memory_space<vmem>>[vector<16xi32>], vector<16xf32>,
        %sub3A_627 = arith.subf %div3A_114, %gather3A_625 : vector<16xf32>
        %sub3A_628 = arith.subf %div3A_117, %gather3A_626 : vector<16xf32>
        %mul3A_629 = arith.mulf %sub3A_627, %sub3A_627 : vector<16xf32>
        %mul3A_630 = arith.mulf %sub3A_628, %sub3A_628 : vector<16xf32>
        %add3A_631 = arith.addf %mul3A_629, %mul3A_630 : vector<16xf32>
        %add3A_632 = arith.constant 9 : i32
        %add3A_633 = vector.broadcast %add3A_632 : i32 to vector<16xi32>
        %add3A_634 = arith.addi %while3A_536, %add3A_633 : vector<16xi32>
        %gather3A_635 = tpu.vector_load_idx %arg15[%add3A_634] : memref<1600xf32, #tpu.memory_space<vmem>>[vector<16xi32>], vector<16xf32>,
        %gather3A_636 = tpu.vector_load_idx %arg16[%add3A_634] : memref<1600xf32, #tpu.memory_space<vmem>>[vector<16xi32>], vector<16xf32>,
        %sub3A_637 = arith.subf %div3A_114, %gather3A_635 : vector<16xf32>
        %sub3A_638 = arith.subf %div3A_117, %gather3A_636 : vector<16xf32>
        %mul3A_639 = arith.mulf %sub3A_637, %sub3A_637 : vector<16xf32>
        %mul3A_640 = arith.mulf %sub3A_638, %sub3A_638 : vector<16xf32>
        %add3A_641 = arith.addf %mul3A_639, %mul3A_640 : vector<16xf32>
        %add3A_642 = arith.constant 10 : i32
        %add3A_643 = vector.broadcast %add3A_642 : i32 to vector<16xi32>
        %add3A_644 = arith.addi %while3A_536, %add3A_643 : vector<16xi32>
        %gather3A_645 = tpu.vector_load_idx %arg15[%add3A_644] : memref<1600xf32, #tpu.memory_space<vmem>>[vector<16xi32>], vector<16xf32>,
        %gather3A_646 = tpu.vector_load_idx %arg16[%add3A_644] : memref<1600xf32, #tpu.memory_space<vmem>>[vector<16xi32>], vector<16xf32>,
        %sub3A_647 = arith.subf %div3A_114, %gather3A_645 : vector<16xf32>
        %sub3A_648 = arith.subf %div3A_117, %gather3A_646 : vector<16xf32>
        %mul3A_649 = arith.mulf %sub3A_647, %sub3A_647 : vector<16xf32>
        %mul3A_650 = arith.mulf %sub3A_648, %sub3A_648 : vector<16xf32>
        %add3A_651 = arith.addf %mul3A_649, %mul3A_650 : vector<16xf32>
        %add3A_652 = arith.constant 11 : i32
        %add3A_653 = vector.broadcast %add3A_652 : i32 to vector<16xi32>
        %add3A_654 = arith.addi %while3A_536, %add3A_653 : vector<16xi32>
        %gather3A_655 = tpu.vector_load_idx %arg15[%add3A_654] : memref<1600xf32, #tpu.memory_space<vmem>>[vector<16xi32>], vector<16xf32>,
        %gather3A_656 = tpu.vector_load_idx %arg16[%add3A_654] : memref<1600xf32, #tpu.memory_space<vmem>>[vector<16xi32>], vector<16xf32>,
        %sub3A_657 = arith.subf %div3A_114, %gather3A_655 : vector<16xf32>
        %sub3A_658 = arith.subf %div3A_117, %gather3A_656 : vector<16xf32>
        %mul3A_659 = arith.mulf %sub3A_657, %sub3A_657 : vector<16xf32>
        %mul3A_660 = arith.mulf %sub3A_658, %sub3A_658 : vector<16xf32>
        %add3A_661 = arith.addf %mul3A_659, %mul3A_660 : vector<16xf32>
        %add3A_662 = arith.constant 0 : i32
        %add3A_663 = vector.broadcast %add3A_662 : i32 to vector<16xi32>
        %add3A_664 = arith.addi %while3A_537, %add3A_663 : vector<16xi32>
        %gather3A_665 = tpu.vector_load_idx %arg15[%add3A_664] : memref<1600xf32, #tpu.memory_space<vmem>>[vector<16xi32>], vector<16xf32>,
        %gather3A_666 = tpu.vector_load_idx %arg16[%add3A_664] : memref<1600xf32, #tpu.memory_space<vmem>>[vector<16xi32>], vector<16xf32>,
        %sub3A_667 = arith.subf %div3A_114, %gather3A_665 : vector<16xf32>
        %sub3A_668 = arith.subf %div3A_117, %gather3A_666 : vector<16xf32>
        %mul3A_669 = arith.mulf %sub3A_667, %sub3A_667 : vector<16xf32>
        %mul3A_670 = arith.mulf %sub3A_668, %sub3A_668 : vector<16xf32>
        %add3A_671 = arith.addf %mul3A_669, %mul3A_670 : vector<16xf32>
        %add3A_672 = arith.constant 1 : i32
        %add3A_673 = vector.broadcast %add3A_672 : i32 to vector<16xi32>
        %add3A_674 = arith.addi %while3A_537, %add3A_673 : vector<16xi32>
        %gather3A_675 = tpu.vector_load_idx %arg15[%add3A_674] : memref<1600xf32, #tpu.memory_space<vmem>>[vector<16xi32>], vector<16xf32>,
        %gather3A_676 = tpu.vector_load_idx %arg16[%add3A_674] : memref<1600xf32, #tpu.memory_space<vmem>>[vector<16xi32>], vector<16xf32>,
        %sub3A_677 = arith.subf %div3A_114, %gather3A_675 : vector<16xf32>
        %sub3A_678 = arith.subf %div3A_117, %gather3A_676 : vector<16xf32>
        %mul3A_679 = arith.mulf %sub3A_677, %sub3A_677 : vector<16xf32>
        %mul3A_680 = arith.mulf %sub3A_678, %sub3A_678 : vector<16xf32>
        %add3A_681 = arith.addf %mul3A_679, %mul3A_680 : vector<16xf32>
        %add3A_682 = arith.constant 2 : i32
        %add3A_683 = vector.broadcast %add3A_682 : i32 to vector<16xi32>
        %add3A_684 = arith.addi %while3A_537, %add3A_683 : vector<16xi32>
        %gather3A_685 = tpu.vector_load_idx %arg15[%add3A_684] : memref<1600xf32, #tpu.memory_space<vmem>>[vector<16xi32>], vector<16xf32>,
        %gather3A_686 = tpu.vector_load_idx %arg16[%add3A_684] : memref<1600xf32, #tpu.memory_space<vmem>>[vector<16xi32>], vector<16xf32>,
        %sub3A_687 = arith.subf %div3A_114, %gather3A_685 : vector<16xf32>
        %sub3A_688 = arith.subf %div3A_117, %gather3A_686 : vector<16xf32>
        %mul3A_689 = arith.mulf %sub3A_687, %sub3A_687 : vector<16xf32>
        %mul3A_690 = arith.mulf %sub3A_688, %sub3A_688 : vector<16xf32>
        %add3A_691 = arith.addf %mul3A_689, %mul3A_690 : vector<16xf32>
        %add3A_692 = arith.constant 3 : i32
        %add3A_693 = vector.broadcast %add3A_692 : i32 to vector<16xi32>
        %add3A_694 = arith.addi %while3A_537, %add3A_693 : vector<16xi32>
        %gather3A_695 = tpu.vector_load_idx %arg15[%add3A_694] : memref<1600xf32, #tpu.memory_space<vmem>>[vector<16xi32>], vector<16xf32>,
        %gather3A_696 = tpu.vector_load_idx %arg16[%add3A_694] : memref<1600xf32, #tpu.memory_space<vmem>>[vector<16xi32>], vector<16xf32>,
        %sub3A_697 = arith.subf %div3A_114, %gather3A_695 : vector<16xf32>
        %sub3A_698 = arith.subf %div3A_117, %gather3A_696 : vector<16xf32>
        %mul3A_699 = arith.mulf %sub3A_697, %sub3A_697 : vector<16xf32>
        %mul3A_700 = arith.mulf %sub3A_698, %sub3A_698 : vector<16xf32>
        %add3A_701 = arith.addf %mul3A_699, %mul3A_700 : vector<16xf32>
        %add3A_702 = arith.constant 4 : i32
        %add3A_703 = vector.broadcast %add3A_702 : i32 to vector<16xi32>
        %add3A_704 = arith.addi %while3A_537, %add3A_703 : vector<16xi32>
        %gather3A_705 = tpu.vector_load_idx %arg15[%add3A_704] : memref<1600xf32, #tpu.memory_space<vmem>>[vector<16xi32>], vector<16xf32>,
        %gather3A_706 = tpu.vector_load_idx %arg16[%add3A_704] : memref<1600xf32, #tpu.memory_space<vmem>>[vector<16xi32>], vector<16xf32>,
        %sub3A_707 = arith.subf %div3A_114, %gather3A_705 : vector<16xf32>
        %sub3A_708 = arith.subf %div3A_117, %gather3A_706 : vector<16xf32>
        %mul3A_709 = arith.mulf %sub3A_707, %sub3A_707 : vector<16xf32>
        %mul3A_710 = arith.mulf %sub3A_708, %sub3A_708 : vector<16xf32>
        %add3A_711 = arith.addf %mul3A_709, %mul3A_710 : vector<16xf32>
        %add3A_712 = arith.constant 5 : i32
        %add3A_713 = vector.broadcast %add3A_712 : i32 to vector<16xi32>
        %add3A_714 = arith.addi %while3A_537, %add3A_713 : vector<16xi32>
        %gather3A_715 = tpu.vector_load_idx %arg15[%add3A_714] : memref<1600xf32, #tpu.memory_space<vmem>>[vector<16xi32>], vector<16xf32>,
        %gather3A_716 = tpu.vector_load_idx %arg16[%add3A_714] : memref<1600xf32, #tpu.memory_space<vmem>>[vector<16xi32>], vector<16xf32>,
        %sub3A_717 = arith.subf %div3A_114, %gather3A_715 : vector<16xf32>
        %sub3A_718 = arith.subf %div3A_117, %gather3A_716 : vector<16xf32>
        %mul3A_719 = arith.mulf %sub3A_717, %sub3A_717 : vector<16xf32>
        %mul3A_720 = arith.mulf %sub3A_718, %sub3A_718 : vector<16xf32>
        %add3A_721 = arith.addf %mul3A_719, %mul3A_720 : vector<16xf32>
        %add3A_722 = arith.constant 6 : i32
        %add3A_723 = vector.broadcast %add3A_722 : i32 to vector<16xi32>
        %add3A_724 = arith.addi %while3A_537, %add3A_723 : vector<16xi32>
        %gather3A_725 = tpu.vector_load_idx %arg15[%add3A_724] : memref<1600xf32, #tpu.memory_space<vmem>>[vector<16xi32>], vector<16xf32>,
        %gather3A_726 = tpu.vector_load_idx %arg16[%add3A_724] : memref<1600xf32, #tpu.memory_space<vmem>>[vector<16xi32>], vector<16xf32>,
        %sub3A_727 = arith.subf %div3A_114, %gather3A_725 : vector<16xf32>
        %sub3A_728 = arith.subf %div3A_117, %gather3A_726 : vector<16xf32>
        %mul3A_729 = arith.mulf %sub3A_727, %sub3A_727 : vector<16xf32>
        %mul3A_730 = arith.mulf %sub3A_728, %sub3A_728 : vector<16xf32>
        %add3A_731 = arith.addf %mul3A_729, %mul3A_730 : vector<16xf32>
        %add3A_732 = arith.constant 7 : i32
        %add3A_733 = vector.broadcast %add3A_732 : i32 to vector<16xi32>
        %add3A_734 = arith.addi %while3A_537, %add3A_733 : vector<16xi32>
        %gather3A_735 = tpu.vector_load_idx %arg15[%add3A_734] : memref<1600xf32, #tpu.memory_space<vmem>>[vector<16xi32>], vector<16xf32>,
        %gather3A_736 = tpu.vector_load_idx %arg16[%add3A_734] : memref<1600xf32, #tpu.memory_space<vmem>>[vector<16xi32>], vector<16xf32>,
        %sub3A_737 = arith.subf %div3A_114, %gather3A_735 : vector<16xf32>
        %sub3A_738 = arith.subf %div3A_117, %gather3A_736 : vector<16xf32>
        %mul3A_739 = arith.mulf %sub3A_737, %sub3A_737 : vector<16xf32>
        %mul3A_740 = arith.mulf %sub3A_738, %sub3A_738 : vector<16xf32>
        %add3A_741 = arith.addf %mul3A_739, %mul3A_740 : vector<16xf32>
        %add3A_742 = arith.constant 8 : i32
        %add3A_743 = vector.broadcast %add3A_742 : i32 to vector<16xi32>
        %add3A_744 = arith.addi %while3A_537, %add3A_743 : vector<16xi32>
        %gather3A_745 = tpu.vector_load_idx %arg15[%add3A_744] : memref<1600xf32, #tpu.memory_space<vmem>>[vector<16xi32>], vector<16xf32>,
        %gather3A_746 = tpu.vector_load_idx %arg16[%add3A_744] : memref<1600xf32, #tpu.memory_space<vmem>>[vector<16xi32>], vector<16xf32>,
        %sub3A_747 = arith.subf %div3A_114, %gather3A_745 : vector<16xf32>
        %sub3A_748 = arith.subf %div3A_117, %gather3A_746 : vector<16xf32>
        %mul3A_749 = arith.mulf %sub3A_747, %sub3A_747 : vector<16xf32>
        %mul3A_750 = arith.mulf %sub3A_748, %sub3A_748 : vector<16xf32>
        %add3A_751 = arith.addf %mul3A_749, %mul3A_750 : vector<16xf32>
        %add3A_752 = arith.constant 9 : i32
        %add3A_753 = vector.broadcast %add3A_752 : i32 to vector<16xi32>
        %add3A_754 = arith.addi %while3A_537, %add3A_753 : vector<16xi32>
        %gather3A_755 = tpu.vector_load_idx %arg15[%add3A_754] : memref<1600xf32, #tpu.memory_space<vmem>>[vector<16xi32>], vector<16xf32>,
        %gather3A_756 = tpu.vector_load_idx %arg16[%add3A_754] : memref<1600xf32, #tpu.memory_space<vmem>>[vector<16xi32>], vector<16xf32>,
        %sub3A_757 = arith.subf %div3A_114, %gather3A_755 : vector<16xf32>
        %sub3A_758 = arith.subf %div3A_117, %gather3A_756 : vector<16xf32>
        %mul3A_759 = arith.mulf %sub3A_757, %sub3A_757 : vector<16xf32>
        %mul3A_760 = arith.mulf %sub3A_758, %sub3A_758 : vector<16xf32>
        %add3A_761 = arith.addf %mul3A_759, %mul3A_760 : vector<16xf32>
        %add3A_762 = arith.constant 10 : i32
        %add3A_763 = vector.broadcast %add3A_762 : i32 to vector<16xi32>
        %add3A_764 = arith.addi %while3A_537, %add3A_763 : vector<16xi32>
        %gather3A_765 = tpu.vector_load_idx %arg15[%add3A_764] : memref<1600xf32, #tpu.memory_space<vmem>>[vector<16xi32>], vector<16xf32>,
        %gather3A_766 = tpu.vector_load_idx %arg16[%add3A_764] : memref<1600xf32, #tpu.memory_space<vmem>>[vector<16xi32>], vector<16xf32>,
        %sub3A_767 = arith.subf %div3A_114, %gather3A_765 : vector<16xf32>
        %sub3A_768 = arith.subf %div3A_117, %gather3A_766 : vector<16xf32>
        %mul3A_769 = arith.mulf %sub3A_767, %sub3A_767 : vector<16xf32>
        %mul3A_770 = arith.mulf %sub3A_768, %sub3A_768 : vector<16xf32>
        %add3A_771 = arith.addf %mul3A_769, %mul3A_770 : vector<16xf32>
        %add3A_772 = arith.constant 11 : i32
        %add3A_773 = vector.broadcast %add3A_772 : i32 to vector<16xi32>
        %add3A_774 = arith.addi %while3A_537, %add3A_773 : vector<16xi32>
        %gather3A_775 = tpu.vector_load_idx %arg15[%add3A_774] : memref<1600xf32, #tpu.memory_space<vmem>>[vector<16xi32>], vector<16xf32>,
        %gather3A_776 = tpu.vector_load_idx %arg16[%add3A_774] : memref<1600xf32, #tpu.memory_space<vmem>>[vector<16xi32>], vector<16xf32>,
        %sub3A_777 = arith.subf %div3A_114, %gather3A_775 : vector<16xf32>
        %sub3A_778 = arith.subf %div3A_117, %gather3A_776 : vector<16xf32>
        %mul3A_779 = arith.mulf %sub3A_777, %sub3A_777 : vector<16xf32>
        %mul3A_780 = arith.mulf %sub3A_778, %sub3A_778 : vector<16xf32>
        %add3A_781 = arith.addf %mul3A_779, %mul3A_780 : vector<16xf32>
        %neg3A_782 = arith.constant 0.000000e+00 : f32
        %neg3A_783 = vector.broadcast %neg3A_782 : f32 to vector<16xf32>
        %neg3A_784 = arith.subf %neg3A_783, %sub3A_777 : vector<16xf32>
        %lt3A_785 = arith.cmpf olt, %add3A_561, %add3A_551 : vector<16xf32>
        %select_n3A_786 = arith.select %lt3A_785, %add3A_561, %add3A_551 : vector<16xi1>, vector<16xf32>
        %select_n3A_787 = arith.select %lt3A_785, %add3A_554, %add3A_544 : vector<16xi1>, vector<16xi32>
        %lt3A_788 = arith.cmpf olt, %add3A_581, %add3A_571 : vector<16xf32>
        %select_n3A_789 = arith.select %lt3A_788, %add3A_581, %add3A_571 : vector<16xi1>, vector<16xf32>
        %select_n3A_790 = arith.select %lt3A_788, %add3A_574, %add3A_564 : vector<16xi1>, vector<16xi32>
        %lt3A_791 = arith.cmpf olt, %add3A_601, %add3A_591 : vector<16xf32>
        %select_n3A_792 = arith.select %lt3A_791, %add3A_601, %add3A_591 : vector<16xi1>, vector<16xf32>
        %select_n3A_793 = arith.select %lt3A_791, %add3A_594, %add3A_584 : vector<16xi1>, vector<16xi32>
        %lt3A_794 = arith.cmpf olt, %add3A_621, %add3A_611 : vector<16xf32>
        %select_n3A_795 = arith.select %lt3A_794, %add3A_621, %add3A_611 : vector<16xi1>, vector<16xf32>
        %select_n3A_796 = arith.select %lt3A_794, %add3A_614, %add3A_604 : vector<16xi1>, vector<16xi32>
        %lt3A_797 = arith.cmpf olt, %add3A_641, %add3A_631 : vector<16xf32>
        %select_n3A_798 = arith.select %lt3A_797, %add3A_641, %add3A_631 : vector<16xi1>, vector<16xf32>
        %select_n3A_799 = arith.select %lt3A_797, %add3A_634, %add3A_624 : vector<16xi1>, vector<16xi32>
        %lt3A_800 = arith.cmpf olt, %add3A_661, %add3A_651 : vector<16xf32>
        %select_n3A_801 = arith.select %lt3A_800, %add3A_661, %add3A_651 : vector<16xi1>, vector<16xf32>
        %select_n3A_802 = arith.select %lt3A_800, %add3A_654, %add3A_644 : vector<16xi1>, vector<16xi32>
        %lt3A_803 = arith.cmpf olt, %add3A_681, %add3A_671 : vector<16xf32>
        %select_n3A_804 = arith.select %lt3A_803, %add3A_681, %add3A_671 : vector<16xi1>, vector<16xf32>
        %select_n3A_805 = arith.select %lt3A_803, %add3A_674, %add3A_664 : vector<16xi1>, vector<16xi32>
        %lt3A_806 = arith.cmpf olt, %add3A_701, %add3A_691 : vector<16xf32>
        %select_n3A_807 = arith.select %lt3A_806, %add3A_701, %add3A_691 : vector<16xi1>, vector<16xf32>
        %select_n3A_808 = arith.select %lt3A_806, %add3A_694, %add3A_684 : vector<16xi1>, vector<16xi32>
        %lt3A_809 = arith.cmpf olt, %add3A_721, %add3A_711 : vector<16xf32>
        %select_n3A_810 = arith.select %lt3A_809, %add3A_721, %add3A_711 : vector<16xi1>, vector<16xf32>
        %select_n3A_811 = arith.select %lt3A_809, %add3A_714, %add3A_704 : vector<16xi1>, vector<16xi32>
        %lt3A_812 = arith.cmpf olt, %add3A_741, %add3A_731 : vector<16xf32>
        %select_n3A_813 = arith.select %lt3A_812, %add3A_741, %add3A_731 : vector<16xi1>, vector<16xf32>
        %select_n3A_814 = arith.select %lt3A_812, %add3A_734, %add3A_724 : vector<16xi1>, vector<16xi32>
        %lt3A_815 = arith.cmpf olt, %add3A_761, %add3A_751 : vector<16xf32>
        %select_n3A_816 = arith.select %lt3A_815, %add3A_761, %add3A_751 : vector<16xi1>, vector<16xf32>
        %select_n3A_817 = arith.select %lt3A_815, %add3A_754, %add3A_744 : vector<16xi1>, vector<16xi32>
        %lt3A_818 = arith.cmpf olt, %add3A_781, %add3A_771 : vector<16xf32>
        %select_n3A_819 = arith.select %lt3A_818, %add3A_781, %add3A_771 : vector<16xi1>, vector<16xf32>
        %select_n3A_820 = arith.select %lt3A_818, %add3A_774, %add3A_764 : vector<16xi1>, vector<16xi32>
        %lt3A_821 = arith.cmpf olt, %select_n3A_789, %select_n3A_786 : vector<16xf32>
        %select_n3A_822 = arith.select %lt3A_821, %select_n3A_789, %select_n3A_786 : vector<16xi1>, vector<16xf32>
        %select_n3A_823 = arith.select %lt3A_821, %select_n3A_790, %select_n3A_787 : vector<16xi1>, vector<16xi32>
        %lt3A_824 = arith.cmpf olt, %select_n3A_795, %select_n3A_792 : vector<16xf32>
        %select_n3A_825 = arith.select %lt3A_824, %select_n3A_795, %select_n3A_792 : vector<16xi1>, vector<16xf32>
        %select_n3A_826 = arith.select %lt3A_824, %select_n3A_796, %select_n3A_793 : vector<16xi1>, vector<16xi32>
        %lt3A_827 = arith.cmpf olt, %select_n3A_801, %select_n3A_798 : vector<16xf32>
        %select_n3A_828 = arith.select %lt3A_827, %select_n3A_801, %select_n3A_798 : vector<16xi1>, vector<16xf32>
        %select_n3A_829 = arith.select %lt3A_827, %select_n3A_802, %select_n3A_799 : vector<16xi1>, vector<16xi32>
        %lt3A_830 = arith.cmpf olt, %select_n3A_807, %select_n3A_804 : vector<16xf32>
        %select_n3A_831 = arith.select %lt3A_830, %select_n3A_807, %select_n3A_804 : vector<16xi1>, vector<16xf32>
        %select_n3A_832 = arith.select %lt3A_830, %select_n3A_808, %select_n3A_805 : vector<16xi1>, vector<16xi32>
        %lt3A_833 = arith.cmpf olt, %select_n3A_813, %select_n3A_810 : vector<16xf32>
        %select_n3A_834 = arith.select %lt3A_833, %select_n3A_813, %select_n3A_810 : vector<16xi1>, vector<16xf32>
        %select_n3A_835 = arith.select %lt3A_833, %select_n3A_814, %select_n3A_811 : vector<16xi1>, vector<16xi32>
        %lt3A_836 = arith.cmpf olt, %select_n3A_819, %select_n3A_816 : vector<16xf32>
        %select_n3A_837 = arith.select %lt3A_836, %select_n3A_819, %select_n3A_816 : vector<16xi1>, vector<16xf32>
        %select_n3A_838 = arith.select %lt3A_836, %select_n3A_820, %select_n3A_817 : vector<16xi1>, vector<16xi32>
        %lt3A_839 = arith.cmpf olt, %select_n3A_825, %select_n3A_822 : vector<16xf32>
        %select_n3A_840 = arith.select %lt3A_839, %select_n3A_825, %select_n3A_822 : vector<16xi1>, vector<16xf32>
        %select_n3A_841 = arith.select %lt3A_839, %select_n3A_826, %select_n3A_823 : vector<16xi1>, vector<16xi32>
        %lt3A_842 = arith.cmpf olt, %select_n3A_831, %select_n3A_828 : vector<16xf32>
        %select_n3A_843 = arith.select %lt3A_842, %select_n3A_831, %select_n3A_828 : vector<16xi1>, vector<16xf32>
        %select_n3A_844 = arith.select %lt3A_842, %select_n3A_832, %select_n3A_829 : vector<16xi1>, vector<16xi32>
        %lt3A_845 = arith.cmpf olt, %select_n3A_837, %select_n3A_834 : vector<16xf32>
        %select_n3A_846 = arith.select %lt3A_845, %select_n3A_837, %select_n3A_834 : vector<16xi1>, vector<16xf32>
        %select_n3A_847 = arith.select %lt3A_845, %select_n3A_838, %select_n3A_835 : vector<16xi1>, vector<16xi32>
        %lt3A_848 = arith.cmpf olt, %select_n3A_843, %select_n3A_840 : vector<16xf32>
        %select_n3A_849 = arith.select %lt3A_848, %select_n3A_843, %select_n3A_840 : vector<16xi1>, vector<16xf32>
        %select_n3A_850 = arith.select %lt3A_848, %select_n3A_844, %select_n3A_841 : vector<16xi1>, vector<16xi32>
        %lt3A_851 = arith.cmpf olt, %select_n3A_846, %select_n3A_849 : vector<16xf32>
        %select_n3A_852 = arith.select %lt3A_851, %select_n3A_846, %select_n3A_849 : vector<16xi1>, vector<16xf32>
        %select_n3A_853 = arith.select %lt3A_851, %select_n3A_847, %select_n3A_850 : vector<16xi1>, vector<16xi32>
        %lt3A_854 = arith.cmpf olt, %select_n3A_852, %while3A_538 : vector<16xf32>
        %select_n3A_855 = arith.select %lt3A_854, %select_n3A_852, %while3A_538 : vector<16xi1>, vector<16xf32>
        %select_n3A_856 = arith.select %lt3A_854, %select_n3A_853, %while3A_539 : vector<16xi1>, vector<16xi32>
        %sub3A_857 = arith.constant 12 : i32
        %sub3A_858 = vector.broadcast %sub3A_857 : i32 to vector<16xi32>
        %sub3A_859 = arith.subi %while3A_536, %sub3A_858 : vector<16xi32>
        %add3A_860 = arith.constant 12 : i32
        %add3A_861 = vector.broadcast %add3A_860 : i32 to vector<16xi32>
        %add3A_862 = arith.addi %while3A_537, %add3A_861 : vector<16xi32>
        scf.yield %sub3A_859, %add3A_862, %select_n3A_855, %select_n3A_856, %sub3A_547, %neg3A_784 : vector<16xi32>, vector<16xi32>, vector<16xf32>, vector<16xi32>, vector<16xf32>, vector<16xf32>
      }
      %gather3A_457 = tpu.vector_load_idx %arg15[%while3A#3] : memref<1600xf32, #tpu.memory_space<vmem>>[vector<16xi32>], vector<16xf32>,
      %gather3A_458 = tpu.vector_load_idx %arg16[%while3A#3] : memref<1600xf32, #tpu.memory_space<vmem>>[vector<16xi32>], vector<16xf32>,
      %mul3A_459 = arith.constant 224 : i32
      %mul3A_460 = vector.broadcast %mul3A_459 : i32 to vector<16xi32>
      %mul3A_461 = arith.muli %min3A_122, %mul3A_460 : vector<16xi32>
      %add3A_462 = arith.addi %mul3A_461, %min3A_128 : vector<16xi32>
      %gather3A_463 = tpu.vector_load_idx %arg14[%add3A_462] : memref<50176xf32, #tpu.memory_space<vmem>>[vector<16xi32>], vector<16xf32>,
      %eq3A = arith.cmpi eq, %convert_element_type3A_118, %min3A_122 : vector<16xi32>
      %eq3A_464 = arith.cmpi eq, %convert_element_type3A, %min3A_128 : vector<16xi32>
      %and3A_465 = arith.andi %eq3A, %eq3A_464 : vector<16xi1>
      %eq3A_466 = arith.constant 0.000000e+00 : f32
      %eq3A_467 = vector.broadcast %eq3A_466 : f32 to vector<16xf32>
      %eq3A_468 = arith.cmpf oeq, %gather3A_463, %eq3A_467 : vector<16xf32>
      %not3A = arith.constant dense<true> : vector<16xi1>
      %not3A_469 = arith.xori %and3A_465, %not3A : vector<16xi1>
      %or3A = arith.ori %eq3A_468, %not3A_469 : vector<16xi1>
      %get3A_470 = arith.index_cast %mul3A_108 : i32 to index
      %get3A_471 = tpu.vector_load %arg10[%get3A_470] {strides = array<i32>} : memref<1024xf32, #tpu.memory_space<vmem>>, vector<16xf32>,
      %mul3A_472 = arith.constant 2.240000e+02 : f32
      %mul3A_473 = vector.broadcast %mul3A_472 : f32 to vector<16xf32>
      %mul3A_474 = arith.mulf %gather3A_457, %mul3A_473 : vector<16xf32>
      %mul3A_475 = arith.mulf %mul3A_474, %get3A_471 : vector<16xf32>
      %mul3A_476 = arith.constant 2.240000e+02 : f32
      %mul3A_477 = vector.broadcast %mul3A_476 : f32 to vector<16xf32>
      %mul3A_478 = arith.mulf %gather3A_458, %mul3A_477 : vector<16xf32>
      %mul3A_479 = arith.mulf %mul3A_478, %get3A_471 : vector<16xf32>
      %get3A_480 = arith.constant 0 : index
      %get3A_481 = tpu.vector_load %arg17[%get3A_480] {strides = array<i32>} : memref<192xf32, #tpu.memory_space<vmem>>, vector<16xf32>,
      %get3A_482 = arith.constant 48 : index
      %get3A_483 = tpu.vector_load %arg17[%get3A_482] {strides = array<i32>} : memref<192xf32, #tpu.memory_space<vmem>>, vector<16xf32>,
      %get3A_484 = arith.constant 96 : index
      %get3A_485 = tpu.vector_load %arg17[%get3A_484] {strides = array<i32>} : memref<192xf32, #tpu.memory_space<vmem>>, vector<16xf32>,
      %get3A_486 = arith.constant 144 : index
      %get3A_487 = tpu.vector_load %arg17[%get3A_486] {strides = array<i32>} : memref<192xf32, #tpu.memory_space<vmem>>, vector<16xf32>,
      %mul3A_488 = arith.mulf %mul3A_475, %get3A_481 : vector<16xf32>
      %mul3A_489 = arith.mulf %mul3A_479, %get3A_483 : vector<16xf32>
      %add3A_490 = arith.addf %mul3A_488, %mul3A_489 : vector<16xf32>
      %mul3A_491 = arith.mulf %get3A_471, %get3A_485 : vector<16xf32>
      %add3A_492 = arith.addf %add3A_490, %mul3A_491 : vector<16xf32>
      %add3A_493 = arith.addf %add3A_492, %get3A_487 : vector<16xf32>
      %get3A_494 = arith.index_cast %mul3A_108 : i32 to index
      %get3A_495 = tpu.vector_load %arg11[%get3A_494] {strides = array<i32>} : memref<1024xf32, #tpu.memory_space<vmem>>, vector<16xf32>,
      %select_n3A_496 = arith.select %or3A, %add3A_493, %get3A_495 : vector<16xi1>, vector<16xf32>
      %swap3A = arith.index_cast %mul3A_108 : i32 to index
      %swap3A_497 = tpu.vector_load %arg19[%swap3A] {strides = array<i32>} : memref<1024xf32, #tpu.memory_space<vmem>>, vector<16xf32>,
      tpu.vector_store %arg19[%swap3A], %select_n3A_496 {strides = array<i32>} : memref<1024xf32, #tpu.memory_space<vmem>>, vector<16xf32>,
      %get3A_498 = arith.constant 16 : index
      %get3A_499 = tpu.vector_load %arg17[%get3A_498] {strides = array<i32>} : memref<192xf32, #tpu.memory_space<vmem>>, vector<16xf32>,
      %get3A_500 = arith.constant 64 : index
      %get3A_501 = tpu.vector_load %arg17[%get3A_500] {strides = array<i32>} : memref<192xf32, #tpu.memory_space<vmem>>, vector<16xf32>,
      %get3A_502 = arith.constant 112 : index
      %get3A_503 = tpu.vector_load %arg17[%get3A_502] {strides = array<i32>} : memref<192xf32, #tpu.memory_space<vmem>>, vector<16xf32>,
      %get3A_504 = arith.constant 160 : index
      %get3A_505 = tpu.vector_load %arg17[%get3A_504] {strides = array<i32>} : memref<192xf32, #tpu.memory_space<vmem>>, vector<16xf32>,
      %mul3A_506 = arith.mulf %mul3A_475, %get3A_499 : vector<16xf32>
      %mul3A_507 = arith.mulf %mul3A_479, %get3A_501 : vector<16xf32>
      %add3A_508 = arith.addf %mul3A_506, %mul3A_507 : vector<16xf32>
      %mul3A_509 = arith.mulf %get3A_471, %get3A_503 : vector<16xf32>
      %add3A_510 = arith.addf %add3A_508, %mul3A_509 : vector<16xf32>
      %add3A_511 = arith.addf %add3A_510, %get3A_505 : vector<16xf32>
      %get3A_512 = arith.index_cast %mul3A_108 : i32 to index
      %get3A_513 = tpu.vector_load %arg12[%get3A_512] {strides = array<i32>} : memref<1024xf32, #tpu.memory_space<vmem>>, vector<16xf32>,
      %select_n3A_514 = arith.select %or3A, %add3A_511, %get3A_513 : vector<16xi1>, vector<16xf32>
      %swap3A_515 = arith.index_cast %mul3A_108 : i32 to index
      %swap3A_516 = tpu.vector_load %arg20[%swap3A_515] {strides = array<i32>} : memref<1024xf32, #tpu.memory_space<vmem>>, vector<16xf32>,
      tpu.vector_store %arg20[%swap3A_515], %select_n3A_514 {strides = array<i32>} : memref<1024xf32, #tpu.memory_space<vmem>>, vector<16xf32>,
      %get3A_517 = arith.constant 32 : index
      %get3A_518 = tpu.vector_load %arg17[%get3A_517] {strides = array<i32>} : memref<192xf32, #tpu.memory_space<vmem>>, vector<16xf32>,
      %get3A_519 = arith.constant 80 : index
      %get3A_520 = tpu.vector_load %arg17[%get3A_519] {strides = array<i32>} : memref<192xf32, #tpu.memory_space<vmem>>, vector<16xf32>,
      %get3A_521 = arith.constant 128 : index
      %get3A_522 = tpu.vector_load %arg17[%get3A_521] {strides = array<i32>} : memref<192xf32, #tpu.memory_space<vmem>>, vector<16xf32>,
      %get3A_523 = arith.constant 176 : index
      %get3A_524 = tpu.vector_load %arg17[%get3A_523] {strides = array<i32>} : memref<192xf32, #tpu.memory_space<vmem>>, vector<16xf32>,
      %mul3A_525 = arith.mulf %mul3A_475, %get3A_518 : vector<16xf32>
      %mul3A_526 = arith.mulf %mul3A_479, %get3A_520 : vector<16xf32>
      %add3A_527 = arith.addf %mul3A_525, %mul3A_526 : vector<16xf32>
      %mul3A_528 = arith.mulf %get3A_471, %get3A_522 : vector<16xf32>
      %add3A_529 = arith.addf %add3A_527, %mul3A_528 : vector<16xf32>
      %add3A_530 = arith.addf %add3A_529, %get3A_524 : vector<16xf32>
      %get3A_531 = arith.index_cast %mul3A_108 : i32 to index
      %get3A_532 = tpu.vector_load %arg13[%get3A_531] {strides = array<i32>} : memref<1024xf32, #tpu.memory_space<vmem>>, vector<16xf32>,
      %select_n3A_533 = arith.select %or3A, %add3A_530, %get3A_532 : vector<16xi1>, vector<16xf32>
      %swap3A_534 = arith.index_cast %mul3A_108 : i32 to index
      %swap3A_535 = tpu.vector_load %arg21[%swap3A_534] {strides = array<i32>} : memref<1024xf32, #tpu.memory_space<vmem>>, vector<16xf32>,
      tpu.vector_store %arg21[%swap3A_534], %select_n3A_533 {strides = array<i32>} : memref<1024xf32, #tpu.memory_space<vmem>>, vector<16xf32>,
    }
    %scan3A_99 = arith.constant 64 : i32
    %add3A_100 = arith.constant 0 : i32
    %add3A_101 = arith.addi %add3A_100, %mul3A_18 : i32
    "tpu.region"() ({
      %run_scoped3A = tpu.sem_alloc : memref<!tpu.dma_semaphore, #tpu.memory_space<semaphore_mem>>
      %dma_start3A_106 = tpu.memref_slice %arg7[%add3A_101] : memref<98304xf32, #tpu.memory_space<hbm>> -> memref<1024xf32, #tpu.memory_space<hbm>>
      %dma_start3A_107 = tpu.memref_slice %arg7[%add3A_101] : memref<98304xf32, #tpu.memory_space<hbm>> -> memref<1024xf32, #tpu.memory_space<hbm>>
      tpu.enqueue_dma source(%arg19 : memref<1024xf32, #tpu.memory_space<vmem>>) target(%dma_start3A_107 : memref<1024xf32, #tpu.memory_space<hbm>>) target_semaphore(%run_scoped3A : memref<!tpu.dma_semaphore, #tpu.memory_space<semaphore_mem>>)
      %dma_wait3A_108 = tpu.memref_slice %arg7[%add3A_101] : memref<98304xf32, #tpu.memory_space<hbm>> -> memref<1024xf32, #tpu.memory_space<hbm>>
      %dma_wait3A_109 = tpu.memref_slice %arg7[%add3A_101] : memref<98304xf32, #tpu.memory_space<hbm>> -> memref<1024xf32, #tpu.memory_space<hbm>>
      tpu.wait_dma2 semaphore(%run_scoped3A : memref<!tpu.dma_semaphore, #tpu.memory_space<semaphore_mem>>) src(%arg19 : memref<1024xf32, #tpu.memory_space<vmem>>) dst(%dma_wait3A_109 : memref<1024xf32, #tpu.memory_space<hbm>>)
      tpu.yield
    }) : () -> ()
    %add3A_102 = arith.constant 32768 : i32
    %add3A_103 = arith.addi %add3A_102, %mul3A_18 : i32
    "tpu.region"() ({
      %run_scoped3A = tpu.sem_alloc : memref<!tpu.dma_semaphore, #tpu.memory_space<semaphore_mem>>
      %dma_start3A_106 = tpu.memref_slice %arg7[%add3A_103] : memref<98304xf32, #tpu.memory_space<hbm>> -> memref<1024xf32, #tpu.memory_space<hbm>>
      %dma_start3A_107 = tpu.memref_slice %arg7[%add3A_103] : memref<98304xf32, #tpu.memory_space<hbm>> -> memref<1024xf32, #tpu.memory_space<hbm>>
      tpu.enqueue_dma source(%arg20 : memref<1024xf32, #tpu.memory_space<vmem>>) target(%dma_start3A_107 : memref<1024xf32, #tpu.memory_space<hbm>>) target_semaphore(%run_scoped3A : memref<!tpu.dma_semaphore, #tpu.memory_space<semaphore_mem>>)
      %dma_wait3A_108 = tpu.memref_slice %arg7[%add3A_103] : memref<98304xf32, #tpu.memory_space<hbm>> -> memref<1024xf32, #tpu.memory_space<hbm>>
      %dma_wait3A_109 = tpu.memref_slice %arg7[%add3A_103] : memref<98304xf32, #tpu.memory_space<hbm>> -> memref<1024xf32, #tpu.memory_space<hbm>>
      tpu.wait_dma2 semaphore(%run_scoped3A : memref<!tpu.dma_semaphore, #tpu.memory_space<semaphore_mem>>) src(%arg20 : memref<1024xf32, #tpu.memory_space<vmem>>) dst(%dma_wait3A_109 : memref<1024xf32, #tpu.memory_space<hbm>>)
      tpu.yield
    }) : () -> ()
    %add3A_104 = arith.constant 65536 : i32
    %add3A_105 = arith.addi %add3A_104, %mul3A_18 : i32
    "tpu.region"() ({
      %run_scoped3A = tpu.sem_alloc : memref<!tpu.dma_semaphore, #tpu.memory_space<semaphore_mem>>
      %dma_start3A_106 = tpu.memref_slice %arg7[%add3A_105] : memref<98304xf32, #tpu.memory_space<hbm>> -> memref<1024xf32, #tpu.memory_space<hbm>>
      %dma_start3A_107 = tpu.memref_slice %arg7[%add3A_105] : memref<98304xf32, #tpu.memory_space<hbm>> -> memref<1024xf32, #tpu.memory_space<hbm>>
      tpu.enqueue_dma source(%arg21 : memref<1024xf32, #tpu.memory_space<vmem>>) target(%dma_start3A_107 : memref<1024xf32, #tpu.memory_space<hbm>>) target_semaphore(%run_scoped3A : memref<!tpu.dma_semaphore, #tpu.memory_space<semaphore_mem>>)
      %dma_wait3A_108 = tpu.memref_slice %arg7[%add3A_105] : memref<98304xf32, #tpu.memory_space<hbm>> -> memref<1024xf32, #tpu.memory_space<hbm>>
      %dma_wait3A_109 = tpu.memref_slice %arg7[%add3A_105] : memref<98304xf32, #tpu.memory_space<hbm>> -> memref<1024xf32, #tpu.memory_space<hbm>>
      tpu.wait_dma2 semaphore(%run_scoped3A : memref<!tpu.dma_semaphore, #tpu.memory_space<semaphore_mem>>) src(%arg21 : memref<1024xf32, #tpu.memory_space<vmem>>) dst(%dma_wait3A_109 : memref<1024xf32, #tpu.memory_space<hbm>>)
      tpu.yield
    }) : () -> ()
    return
  }
}

</mosaic_0001>

<sc_bundles>
// kernel: kernel.3.cloned.1.call-start
scs
__scs_entry_jumppad:
0x0: {  	(pc) =	sbr.rel $0x88, $3  }
0x1: {  	(tag) =	ssettag $0x0;
	lr =	simm.s32 $0x1  }
0x2: {  	[smem:$0x3F9A] =	sst lr;
	_ =	strace $0xD0000000  }
0x3: {  	_ = 	snop  }
0x4: {  	_ = 	snop  }
0x5: {  	_ = 	snop  }
0x6: {  	_ = 	snop  }
0x7: {  	_ = 	snop  }
__scs_overlays_trampoline_lowered:
0x8: {  	[smem:$0x3FA9] =	sst s0  }
0x9: {  	[smem:$0x3FAA] =	sst s1  }
0xa: {  	[smem:$0x3FAB] =	sst s2  }
0xb: {  	[smem:$0x3FAC] =	sst s3  }
0xc: {  	[smem:$0x3FAD] =	sst s4  }
0xd: {  	[smem:$0x3FAE] =	sst s5  }
0xe: {  	[smem:$0x3FAF] =	sst s6  }
0xf: {  	[smem:$0x3FB0] =	sst s7  }
0x10: {  	[smem:$0x3FB1] =	sst s8  }
0x11: {  	[smem:$0x3FB2] =	sst s9;
	s0 =	simm.s32 @!p0 $0x0  }
0x12: {  	s1 =	sld [smem:$0x3F98];
	s0 =	simm.s32 @p0 $0x1  }
0x13: {  	[smem:$0x3FB3] =	sst s0;
	s0 =	simm.s32 @!p1 $0x0  }
0x14: {  	s2 =	sld [smem:$0x3F97];
	s0 =	simm.s32 @p1 $0x1  }
0x15: {  	[smem:$0x3FB4] =	sst s0;
	s0 =	simm.s32 @!p2 $0x0  }
0x16: {  	s3 =	sld [smem:$0x3FDB];
	s0 =	simm.s32 @p2 $0x1  }
0x17: {  	s4 =	simm.s32 $0x1BF5;
	[smem:$0x3FB6] =	sst s0  }
0x18: {  	s0 =	sld [smem:$0x3F99];
	_ =	swait.ge [sflag:s4], $0x0  }
0x19: {  	s7 =	sld [smem:$0x3F9A]  }
0x1a: {  	s8 =	sadd.s32 $0xFFFFE003, lr  }
0x1b: {  	s9 =	sadd.s32 $0xFFFFFEF7, lr;
	s5 =	simm.s32 $0xFFFFFFFF;
	p2 =	slt.u32 s8, $0xFFFFF086  }
0x1c: {  	p1 =	slt.u32 s9, $0xF7A;
	s5 =	simm.s32 @!p2 $0x0  }
0x1d: {  	s5 =	simm.s32 @p1 $0x1;
	p0 =	seq.s32 s7, s2  }
0x1e: {  	s7 =	smul.u32 @!p0 $0xF7A, s2;
	p2 =	seq.s32 @!p0 s5, $0x0  }
0x1f: {  	s9 =	smul.u32 $0xF7A, s1;
	s8 =	simm.s32 @!p0 $0x1BF5;
	p2 =	por !p2, p0  }
0x20: {  	[sflag:s8] =	ssyncset.s32 @!p0 $0xFFFFF086;
	s6 =	sadd.s32 @!p0 s3, s7;
	s7 =	simm.s32 @!p0 $0x108  }
0x21: {  	s3 =	sadd.s32 s3, s9;
	s6 =	sadd.s32 @!p0 $0x88, s6;
	s7 =	simm.s32 @p2 $0x1082  }
0x22: {  	[simem:s7], [sflag:s8] =	dma.local @!p0 [hbm:s6], $0xF7A  }
0x23: {  	s9 =	sor.u32 $0xD0000000, s2;
	s6 =	simm.s32 $0x108;
	_ =	swait.ge @!p0 [sflag:s8], $0x0  }
0x24: {  	s3 =	sadd.s32 $0x88, s3;
	s6 =	simm.s32 @!p1 $0x1082;
	[sflag:s4] =	ssyncset.s32 $0xFFFFF086  }
0x25: {  	[simem:s6], [sflag:s4] =	dma.local [hbm:s3], $0xF7A  }
0x26: {  	[smem:$0x3F9A] =	sst s1;
	(tag) =	ssettag s2;
	_ =	strace s9  }
0x27: {  	s1 =	sld [smem:$0x3FAA]  }
0x28: {  	s2 =	sld [smem:$0x3FAB]  }
0x29: {  	s4 =	sld [smem:$0x3FAD]  }
0x2a: {  	p0 =	seq.s32 s5, $0x0;
	s5 =	sld [smem:$0x3FAE]  }
0x2b: {  	s6 =	sld [smem:$0x3FAF]  }
0x2c: {  	s7 =	sld [smem:$0x3FB0]  }
0x2d: {  	s3 =	simm.s32 $0x108;
	s8 =	sld [smem:$0x3FB1]  }
0x2e: {  	s3 =	simm.s32 @!p0 $0x1082;
	s9 =	sld [smem:$0x3FB2]  }
0x2f: {  	lr =	sadd.s32 s0, s3;
	s0 =	sld [smem:$0x3FA9]  }
0x30: {  	s3 =	sld [smem:$0x3FAC]  }
0x31: {  	[smem:$0x3FB5] =	sst s10  }
0x32: {  	s10 =	sld [smem:$0x3FB3];
	_ =	sdelay $0x3  }
0x33: {  	p0 =	seq.s32 s10, $0x1;
	s10 =	sld [smem:$0x3FB5];
	_ =	sdelay $0x3  }
0x34: {  	[smem:$0x3FB5] =	sst s10  }
0x35: {  	s10 =	sld [smem:$0x3FB4];
	_ =	sdelay $0x3  }
0x36: {  	p1 =	seq.s32 s10, $0x1;
	s10 =	sld [smem:$0x3FB5];
	_ =	sdelay $0x3  }
0x37: {  	[smem:$0x3FB5] =	sst s10  }
0x38: {  	s10 =	sld [smem:$0x3FB6]  }
0x39: {  	_ = 	snop;
	(pc) =	sbr.ind lr, $3  }
0x3a: {  	_ = 	snop  }
0x3b: {  	_ = 	snop  }
0x3c: {  	p2 =	seq.s32 s10, $0x1;
	s10 =	sld [smem:$0x3FB5]  }
0x3d: {  	_ =	shalt  }
0x3e: {  	_ =	shalt  }
0x3f: {  	_ =	shalt  }
0x40: {  	_ =	shalt  }
0x41: {  	_ =	shalt  }
0x42: {  	_ =	shalt  }
0x43: {  	_ =	shalt  }
0x44: {  	_ =	shalt  }
0x45: {  	_ =	shalt  }
0x46: {  	_ =	shalt  }
0x47: {  	_ =	shalt  }
0x48: {  	_ =	shalt  }
0x49: {  	_ =	shalt  }
0x4a: {  	_ =	shalt  }
0x4b: {  	_ =	shalt  }
0x4c: {  	_ =	shalt  }
0x4d: {  	_ =	shalt  }
0x4e: {  	_ =	shalt  }
0x4f: {  	_ =	shalt  }
0x50: {  	_ =	shalt  }
0x51: {  	_ =	shalt  }
0x52: {  	_ =	shalt  }
0x53: {  	_ =	shalt  }
0x54: {  	_ =	shalt  }
0x55: {  	_ =	shalt  }
0x56: {  	_ =	shalt  }
0x57: {  	_ =	shalt  }
0x58: {  	_ =	shalt  }
0x59: {  	_ =	shalt  }
0x5a: {  	_ =	shalt  }
0x5b: {  	_ =	shalt  }
0x5c: {  	_ =	shalt  }
0x5d: {  	_ =	shalt  }
0x5e: {  	_ =	shalt  }
0x5f: {  	_ =	shalt  }
0x60: {  	_ =	shalt  }
0x61: {  	_ =	shalt  }
0x62: {  	_ =	shalt  }
0x63: {  	_ =	shalt  }
0x64: {  	_ =	shalt  }
0x65: {  	_ =	shalt  }
0x66: {  	_ =	shalt  }
0x67: {  	_ =	shalt  }
0x68: {  	_ =	shalt  }
0x69: {  	_ =	shalt  }
0x6a: {  	_ =	shalt  }
0x6b: {  	_ =	shalt  }
0x6c: {  	_ =	shalt  }
0x6d: {  	_ =	shalt  }
0x6e: {  	_ =	shalt  }
0x6f: {  	_ =	shalt  }
0x70: {  	_ =	shalt  }
0x71: {  	_ =	shalt  }
0x72: {  	_ =	shalt  }
0x73: {  	_ =	shalt  }
0x74: {  	_ =	shalt  }
0x75: {  	_ =	shalt  }
0x76: {  	_ =	shalt  }
0x77: {  	_ =	shalt  }
0x78: {  	_ =	shalt  }
0x79: {  	_ =	shalt  }
0x7a: {  	_ =	shalt  }
0x7b: {  	_ =	shalt  }
0x7c: {  	_ =	shalt  }
0x7d: {  	_ =	shalt  }
0x7e: {  	_ =	shalt  }
0x7f: {  	_ =	shalt  }
0x80: {  	_ =	shalt  }
0x81: {  	_ =	shalt  }
0x82: {  	_ =	shalt  }
0x83: {  	_ =	shalt  }
0x84: {  	_ =	shalt  }
0x85: {  	_ =	shalt  }
0x86: {  	_ =	shalt  }
0x87: {  	_ =	shalt  }
.Lfunc_end0:
.L_simem_size_0:
called_computation_lowered:
.L_overlay_start_0:
0x88: {  	s2 =	sld [smem:$0x3FD9]  }
0x89: {  	s3 =	sld [smem:$0x3FFE];
	_ =	sdelay $0x1  }
0x8a: {  	s1 =	srdreg.scid  }
0x8b: {  	s0 =	sand.u32 $0x1, s1  }
0x8c: {  	s17 =	sshll.u32 s0, $0xA;
	s2 =	sadd.s32 s3, s2  }
0x8d: {  	s2 =	sadd.s32 s2, s17  }
0x8e: {  	[smem:$0x3FC1] =	sst s2  }
0x8f: {  	_ = 	snop  }
0x90: {  	s2 =	sld [smem:$0x3FD0];
	(tm) =	ssettm $0x1  }
0x91: {  	s18 =	sld [smem:$0x3FFB];
	_ =	sdelay $0x3  }
0x92: {  	_ =	strace s18  }
0x93: {  	s3 =	sld [smem:$0x3FFC];
	_ =	sdelay $0x3  }
0x94: {  	_ =	strace s3  }
0x95: {  	s3 =	sld [smem:$0x3FFD];
	_ =	sdelay $0x3  }
0x96: {  	_ =	strace s3  }
0x97: {  	_ =	strace $0x8FFFFFFF  }
0x98: {  	s19 =	sld [smem:$0x3FDB];
	_ =	sdelay $0x1  }
0x99: {  	s4 =	simm.s32 $_scs_section_size  }
0x9a: {  	s5 =	simm.s32 $_size__tile_overlayer_lowered;
	s6 =	simm.s32 $_tile_overlayer_lowered  }
0x9b: {  	s22 =	simm.s32 $0x1BFF;
	s21 =	sshll.u32 s6, $0x1;
	s3 =	sadd.s32 s4, s19  }
0x9c: {  	s7 =	simm.s32 $0x0;
	s20 =	sshll.u32 s5, $0x1;
	s5 =	sadd.s32 s21, s3  }
0x9d: {  	[timem:s7], [sflag:s22] =	dma.local [hbm:s5], s20  }
0x9e: {  	_ =	swait.ge [sflag:s22], s20  }
0x9f: {  	s4 =	ssub.s32 $0x0, s20;
	[sflag:s22] =	ssyncset.done $0x0  }
0xa0: {  	[sflag:s22] =	ssyncadd.s32 s4;
	_ =	sdelay $0x1  }
0xa1: {  	s23 =	simm.s32 $0x1B8B  }
0xa2: {  	_ =	swait.ge [sflag:s23], $0x1  }
0xa3: {  	[sflag:s23] =	ssyncset.done $0x0  }
0xa4: {  	s25 =	simm.s32 $0x1B8E;
	s24 =	sld [smem:$0x3FFE];
	[sflag:s23] =	ssyncadd.s32 $0xFFFFFFFF  }
0xa5: {  	s26 =	simm.s32 $execute0_lowered;
	[smem:$0x3FD2] =	sst s25  }
0xa6: {  	s5 =	sshll.u32 s26, $0x1;
	_ =	strace $0x80000046;
	[dreg:$0x1] =	wrdreg $0xFFFFFFFF  }
0xa7: {  	s28 =	simm.s32 $_size_execute0_lowered;
	s3 =	sadd.s32 s3, s5;
	[dreg:$0x0] =	wrdreg $0x0  }
0xa8: {  	s5 =	sshll.u32 s28, $0x1;
	[dreg:$0x2] =	wrdreg s3  }
0xa9: {  	[dreg:$0x3] =	wrdreg s5  }
0xaa: {  	[dreg:$0x4] =	wrdreg $0xC0  }
0xab: {  	_ =	task [dreg:s7], $0x5FFFF  }
0xac: {  	[dreg:$0x1] =	wrdreg $0xFFFFFFFF  }
0xad: {  	[dreg:$0x0] =	wrdreg $0x60  }
0xae: {  	[dreg:$0x2] =	wrdreg s24  }
0xaf: {  	[dreg:$0x3] =	wrdreg s2  }
0xb0: {  	[dreg:$0x4] =	wrdreg $0x9  }
0xb1: {  	_ =	task.clear_ibuf [dreg:s7], $0x5FFFF;
	_ =	strace $0x90000046  }
0xb2: {  	s29 =	simm.s32 $0x9;
	_ =	strace $0x80000048  }
0xb3: {  	_ =	swait.ge [sflag:s29], $0x1  }
0xb4: {  	[sflag:s29] =	ssyncadd.s32 $0xFFFFFFFF  }
0xb5: {  	_ =	strace $0x90000048  }
0xb6: {  	_ =	sfence  }
0xb7: {  	s30 =	sld [smem:$0x0];
	_ =	sdelay $0x2  }
0xb8: {  	s31 =	sshll.u32 s1, $0xD;
	s1 =	sshrl.u32 s1, $0x2  }
0xb9: {  	s3 =	sand.u32 $0x4000, s31;
	s1 =	sadd.s32 s1, s30  }
0xba: {  	s0 =	sor.u32 s3, s0;
	s1 =	sshll.u32 s1, $0x11  }
0xbb: {  	s0 =	sor.u32 s1, s0  }
0xbc: {  	s0 =	sadd.s32 $0x8F2B, s0  }
0xbd: {  	[sflag:s0] =	ssyncadd.remote.s32 $0x1  }
0xbe: {  	_ =	sfence.sel $0xFFFF  }
0xbf: {  	[dreg:$0x0] =	wrdreg $0xFFFFFFFF;
	(pc) =	sbr.abs _section_cstart, $3  }
0xc0: {  	[dreg:$0x1] =	wrdreg $0xFFFFFFFF  }
0xc1: {  	_ =	task.clear_ibuf [dreg:s7], $0x2FFFF;
	_ =	strace $0x9FFFFFFF  }
0xc2: {  	(tm) =	ssettm $0x7FFFFFFF  }
0xc3: {  	_ =	shalt  }
tec
execute0_lowered:
.L_overlay_start_1:
0x0: {  	(tag) =	ssettag $0x1  }
0x1: {  	s0 =	srdreg.scid  }
0x2: {  	s2 =	stileid.u32;
	s10 =	rddreg [dreg:$0x0];
	s3 =	simm.s32 $0x1  }
0x3: {  	s17 =	rddreg [dreg:$0x1];
	s23 =	simm.s32 $0x1400;
	s0 =	sand.u32 $0x1, s0  }
0x4: {  	s24 =	simm.s32 $0x1800;
	s28 =	simm.s32 $0xE900;
	s1 =	sshll.u32 s0, $0x4  }
0x5: {  	s29 =	simm.s32 $0xEA00;
	s1 =	sor.u32 s2, s1;
	s2 =	sand.u32 $0x7, s2  }
0x6: {  	s30 =	simm.s32 $0xEB00;
	p0 =	seq.s32 s1, $0x0;
	p1 =	sne.s32 s2, $0x0  }
0x7: {  	s31 =	simm.s32 $0x2;
	s6 =	sadd.s32 $0x6E00, s10;
	p0 =	por !p1, !p0  }
0x8: {  	s12 =	sadd.s32 $0x6200, s10;
	s0 =	ssub.s32 $0x2, s0;
	p0 =	por !p0, !p0  }
0x9: {  	s26 =	sshrl.u32 s0, $0x1;
	s4 =	sshrl.u32 s1, $0x3;
	s3 =	simm.s32 @!p0 $0x0  }
0xa: {  	s2 =	simm.s32 $0x0;
	s1 =	sshll.u32 s1, $0x7;
	s8 =	ssub.s32 s4, s3  }
0xb: {  	s0 =	ssub.s32 s0, s26;
	s26 =	simm.s32 $0xE280;
	s4 =	smul.u32 $0xC0, s8  }
0xc: {  	[smem:$0x7FF] =	sst s2;
	s16 =	sor.u32 $0x1000, s1;
	s5 =	smul.u32 $0xE8, s8  }
0xd: {  	v0 =	vimm.f32 $2.240000000e+02;
	s18 =	sor.u32 $0x2000, s1;
	_ =	strace $0x80000047;
	s11 =	smul.u32 $0xC80, s8  }
0xe: {  	(erf) = vrcp.f32 v0;
	s3 =	simm.s32 $0x1;
	s15 =	smul.u32 $0xC400, s8;
	s4 =	sshrl.u32 s4, $0x3  }
0xf: {  	s25 =	sshrl.u32 s5, $0x3;
	s5 =	sadd.s32 s6, s16;
	s19 =	sadd.s32 $0x640, s11  }
0x10: {  	s15 =	sshrl.u32 s15, $0x3;
	s11 =	sshrl.u32 s11, $0x3;
	s16 =	sadd.s32 s17, s16  }
0x11: {  	s13 =	sadd.s32 s4, s10;
	s14 =	sadd.s32 s25, s10;
	s4 =	sadd.s32 s6, s1  }
0x12: {  	s6 =	sadd.s32 s6, s18;
	s19 =	sshrl.u32 s19, $0x3;
	s10 =	sadd.s32 s10, s15  }
.Ltmp0:
0x13: {  	s11 =	sadd.s32 s12, s11;
	s15 =	sadd.s32 s17, s1;
	(pc) =	sbr.rel .LBB2_1-.Ltmp0, $4  }
0x14: {  	s17 =	sadd.s32 s17, s18;
	s18 =	smax.u32 s0, $0x1;
	s25 =	simm.s32 $0xDC00  }
0x15: {  	s1 =	simm.s32 $0xEF00;
	s0 =	simm.s32 $0xF300;
	s7 =	sadd.s32 $0x3000, s4  }
0x16: {  	s8 =	sadd.s32 $0x4000, s4;
	s9 =	sadd.s32 $0x5000, s4;
	s12 =	sadd.s32 s12, s19  }
0x17: {  	v1 =	vimm.s32 $0x0;
	s13 =	sadd.s32 $0x6A00, s13;
	s14 =	sadd.s32 $0x6C00, s14;
	s19 =	simm.s32 $0x0;
	v0 =	vpop (erf)  }
.LBB2_6:
0x18: {  	[hbm4b:s15+s2] =	stream.linear.scatter [tilespmem:s30], [sflag:$0x2], $0x400, $0x38;
	[tilespmem:$0xF700] =	vst v63  }
0x19: {  	_ =	swait.ge [sflag:s31], $0x400  }
0x1a: {  	[sflag:s31] =	ssyncset.done $0x0  }
0x1b: {  	[sflag:s31] =	ssyncadd.s32 $0xFFFFFC00  }
0x1c: {  	[hbm4b:s16+s2] =	stream.linear.scatter [tilespmem:s1], [sflag:$0x2], $0x400, $0x38;
	[tilespmem:$0xF700] =	vst v63  }
0x1d: {  	s19 =	sadd.s32 $0x1, s19;
	_ =	swait.ge [sflag:s31], $0x400  }
0x1e: {  	p0 =	sne.s32 s19, s18;
	[sflag:s31] =	ssyncset.done $0x0  }
.Ltmp1:
0x1f: {  	[sflag:s31] =	ssyncadd.s32 $0xFFFFFC00;
	(pc) =	sbr.rel @!p0 .LBB2_7-.Ltmp1, $4  }
0x20: {  	[hbm4b:s17+s2] =	stream.linear.scatter [tilespmem:s0], [sflag:$0x2], $0x400, $0x38;
	[tilespmem:$0xF700] =	vst v63  }
0x21: {  	_ =	swait.ge [sflag:s31], $0x400  }
0x22: {  	[sflag:s31] =	ssyncset.done $0x0  }
0x23: {  	[sflag:s31] =	ssyncadd.s32 $0xFFFFFC00  }
.LBB2_1:
0x24: {  	[tilespmem:s2], [sflag:$0x1] =	stream.linear.gather [hbm4b:s4+s2], $0x400, $0x38;
	[tilespmem:$0xF700] =	vst v63  }
0x25: {  	s20 =	simm.s32 $0x400  }
0x26: {  	[tilespmem:s20], [sflag:$0x1] =	stream.linear.gather [hbm4b:s5+s2], $0x400, $0x38;
	[tilespmem:$0xF700] =	vst v63  }
0x27: {  	s22 =	simm.s32 $0x800  }
0x28: {  	[tilespmem:s22], [sflag:$0x1] =	stream.linear.gather [hbm4b:s6+s2], $0x400, $0x38;
	[tilespmem:$0xF700] =	vst v63  }
0x29: {  	s21 =	simm.s32 $0xC00  }
0x2a: {  	[tilespmem:s21], [sflag:$0x1] =	stream.linear.gather [hbm4b:s7+s2], $0x400, $0x38;
	[tilespmem:$0xF700] =	vst v63  }
0x2b: {  	s22 =	simm.s32 $0x1000  }
0x2c: {  	[tilespmem:s22], [sflag:$0x1] =	stream.linear.gather [hbm4b:s8+s2], $0x400, $0x38;
	[tilespmem:$0xF700] =	vst v63  }
0x2d: {  	_ = 	snop  }
0x2e: {  	[tilespmem:s23], [sflag:$0x1] =	stream.linear.gather [hbm4b:s9+s2], $0x400, $0x38;
	[tilespmem:$0xF700] =	vst v63  }
0x2f: {  	_ = 	snop  }
0x30: {  	[tilespmem:s24], [sflag:$0x1] =	stream.linear.gather [hbm4b:s10+s2], $0xC400, $0x38;
	[tilespmem:$0xF700] =	vst v63  }
0x31: {  	_ = 	snop  }
0x32: {  	[tilespmem:s25], [sflag:$0x1] =	stream.linear.gather [hbm4b:s11+s2], $0x640, $0x38;
	[tilespmem:$0xF700] =	vst v63  }
0x33: {  	_ = 	snop  }
0x34: {  	[tilespmem:s26], [sflag:$0x1] =	stream.linear.gather [hbm4b:s12+s2], $0x640, $0x38;
	[tilespmem:$0xF700] =	vst v63  }
0x35: {  	_ = 	snop  }
0x36: {  	[tilespmem:s28], [sflag:$0x1] =	stream.linear.gather [hbm4b:s13+s2], $0xC0, $0x38;
	[tilespmem:$0xF700] =	vst v63  }
0x37: {  	_ = 	snop  }
0x38: {  	[tilespmem:s29], [sflag:$0x1] =	stream.linear.gather [hbm4b:s14+s2], $0xE8, $0x38;
	[tilespmem:$0xF700] =	vst v63  }
0x39: {  	_ =	swait.ge [sflag:s3], $0x400  }
0x3a: {  	[sflag:s3] =	ssyncset.done $0x0  }
0x3b: {  	[sflag:s3] =	ssyncadd.s32 $0xFFFFFC00  }
0x3c: {  	_ =	swait.ge [sflag:s3], $0x400  }
0x3d: {  	[sflag:s3] =	ssyncset.done $0x0  }
0x3e: {  	[sflag:s3] =	ssyncadd.s32 $0xFFFFFC00  }
0x3f: {  	_ =	swait.ge [sflag:s3], $0x400  }
0x40: {  	[sflag:s3] =	ssyncset.done $0x0  }
0x41: {  	[sflag:s3] =	ssyncadd.s32 $0xFFFFFC00  }
0x42: {  	_ =	swait.ge [sflag:s3], $0x400  }
0x43: {  	[sflag:s3] =	ssyncset.done $0x0  }
0x44: {  	[sflag:s3] =	ssyncadd.s32 $0xFFFFFC00  }
0x45: {  	_ =	swait.ge [sflag:s3], $0x400  }
0x46: {  	[sflag:s3] =	ssyncset.done $0x0  }
0x47: {  	[sflag:s3] =	ssyncadd.s32 $0xFFFFFC00  }
0x48: {  	_ =	swait.ge [sflag:s3], $0x400  }
0x49: {  	[sflag:s3] =	ssyncset.done $0x0  }
0x4a: {  	[sflag:s3] =	ssyncadd.s32 $0xFFFFFC00  }
0x4b: {  	_ =	swait.ge [sflag:s3], $0xC400  }
0x4c: {  	[sflag:s3] =	ssyncset.done $0x0  }
0x4d: {  	[sflag:s3] =	ssyncadd.s32 $0xFFFF3C00  }
0x4e: {  	_ =	swait.ge [sflag:s3], $0x640  }
0x4f: {  	[sflag:s3] =	ssyncset.done $0x0  }
0x50: {  	[sflag:s3] =	ssyncadd.s32 $0xFFFFF9C0  }
0x51: {  	_ =	swait.ge [sflag:s3], $0x640  }
0x52: {  	[sflag:s3] =	ssyncset.done $0x0  }
0x53: {  	[sflag:s3] =	ssyncadd.s32 $0xFFFFF9C0  }
0x54: {  	_ =	swait.ge [sflag:s3], $0xC0  }
.Ltmp2:
0x55: {  	[sflag:s3] =	ssyncset.done $0x0;
	(pc) =	sbr.rel .LBB2_2-.Ltmp2, $4  }
0x56: {  	[sflag:s3] =	ssyncadd.s32 $0xFFFFFF40  }
0x57: {  	_ =	swait.ge [sflag:s3], $0xE8  }
0x58: {  	[sflag:s3] =	ssyncset.done $0x0  }
0x59: {  	s20 =	simm.s32 $0x0;
	[sflag:s3] =	ssyncadd.s32 $0xFFFFFF18  }
.LBB2_5:
0x5a: {  	_ =	sdelay $0x1  }
0x5b: {  	v4 =	vtrunc.f32 v4  }
0x5c: {  	v4 =	vcvt.f32.s32 v4  }
0x5d: {  	v5 =	vld.idx.msk [tilespmem:v8+s25+$0x0], $0xffff  }
0x5e: {  	v7 =	vld.idx.msk [tilespmem:v8+s26+$0x0], $0xffff;
	vm0 =	vgt.s32 v4, $0x0  }
0x5f: {  	v6 =	vnsel vm0, $0x0, v4  }
0x60: {  	v9 =	vld [tilespmem:s21+$0x800];
	v6 =	vmin.u32 v6, $0xDF  }
0x61: {  	v10 =	vld [tilespmem:$0xE900];
	v55 =	vmul.u32 $0xE0, v6  }
0x62: {  	v11 =	vld [tilespmem:$0xE930]  }
0x63: {  	v5 =	vmul.f32 $2.240000000e+02, v5;
	v7 =	vmul.f32 $2.240000000e+02, v7;
	v8 =	vadd.s32 v3, v55  }
0x64: {  	v12 =	vld [tilespmem:$0xE960]  }
0x65: {  	v5 =	vmul.f32 v9, v5;
	v7 =	vmul.f32 v9, v7;
	_ =	sdelay $0x1  }
0x66: {  	v13 =	vld [tilespmem:$0xE990];
	v10 =	vmul.f32 v10, v5;
	v11 =	vmul.f32 v11, v7  }
0x67: {  	v8 =	vld.idx.msk [tilespmem:v8+s24+$0x0], $0xffff  }
0x68: {  	v56 =	vmul.f32 v12, v9;
	v10 =	vadd.f32 v11, v10  }
0x69: {  	v57 =	vld [tilespmem:s21+$0xC00]  }
0x6a: {  	v10 =	vadd.f32 v56, v10  }
0x6b: {  	vm1 =	vne.s32 v3, v2;
	vm14 =	vne.s32 v6, v4  }
0x6c: {  	vm0 =	vmor vm1, vm14;
	v2 =	vadd.f32 v10, v13;
	vm15 =	veq.f32 v8, $0.0e+00  }
0x6d: {  	vm0 =	vmor vm0, vm15  }
0x6e: {  	v2 =	vsel vm0, v2, v57  }
0x6f: {  	[tilespmem:s21+$0xEB00] =	vst v2  }
0x70: {  	v2 =	vld [tilespmem:$0xE910]  }
0x71: {  	v3 =	vld [tilespmem:$0xE940];
	_ =	sdelay $0x1  }
0x72: {  	v58 =	vld [tilespmem:$0xE970];
	_ =	sdelay $0x2  }
0x73: {  	v2 =	vmul.f32 v2, v5;
	v3 =	vmul.f32 v3, v7  }
0x74: {  	v59 =	vld [tilespmem:$0xE9A0]  }
0x75: {  	v2 =	vadd.f32 v3, v2;
	v3 =	vmul.f32 v58, v9  }
0x76: {  	v60 =	vld [tilespmem:s21+$0x1000]  }
0x77: {  	v2 =	vadd.f32 v3, v2;
	_ =	sdelay $0x1  }
0x78: {  	v2 =	vadd.f32 v2, v59;
	_ =	sdelay $0x1  }
0x79: {  	v2 =	vsel vm0, v2, v60  }
0x7a: {  	[tilespmem:s21+$0xEF00] =	vst v2  }
0x7b: {  	v2 =	vld [tilespmem:$0xE920]  }
0x7c: {  	v3 =	vld [tilespmem:$0xE950];
	_ =	sdelay $0x1  }
0x7d: {  	v61 =	vld [tilespmem:$0xE980];
	_ =	sdelay $0x2  }
0x7e: {  	v2 =	vmul.f32 v2, v5;
	v3 =	vmul.f32 v3, v7  }
0x7f: {  	v62 =	vld [tilespmem:$0xE9B0]  }
0x80: {  	v2 =	vadd.f32 v3, v2;
	v3 =	vmul.f32 v61, v9  }
0x81: {  	v63 =	vld [tilespmem:s21+$0x1400];
	s20 =	sadd.s32 $0x1, s20  }
0x82: {  	p0 =	sne.s32 s20, $0x40;
	v2 =	vadd.f32 v3, v2  }
.Ltmp3:
0x83: {  	_ = 	snop;
	(pc) =	sbr.rel @!p0 .LBB2_6-.Ltmp3, $3  }
0x84: {  	v2 =	vadd.f32 v2, v62;
	_ =	sdelay $0x1  }
0x85: {  	v2 =	vsel vm0, v2, v63  }
0x86: {  	[tilespmem:s21+$0xF300] =	vst v2  }
.LBB2_2:
0x87: {  	s21 =	sshll.u32 s20, $0x4  }
0x88: {  	v5 =	vld [tilespmem:s21+$0x0];
	_ =	sdelay $0x4  }
0x89: {  	v2 =	vtrunc.f32 v5  }
0x8a: {  	v2 =	vcvt.f32.s32 v2;
	_ =	sdelay $0x1  }
0x8b: {  	vm0 =	vgt.s32 v2, $0x0  }
0x8c: {  	v3 =	vnsel vm0, $0x0, v2  }
0x8d: {  	v3 =	vmin.u32 v3, $0xDF;
	_ =	sdelay $0x4  }
0x8e: {  	v9 =	vld.idx.msk [tilespmem:v3+s29+$0x0], $0xffff;
	_ =	sdelay $0x4  }
0x8f: {  	v8 =	vadd.s32 $0x214, v9;
	_ =	sdelay $0x1  }
0x90: {  	v10 =	vadd.s32 $0x215, v9;
	_ =	sdelay $0x1  }
0x91: {  	v4 =	vld [tilespmem:s21+$0x400];
	v11 =	vadd.s32 $0x216, v9  }
0x92: {  	v7 =	vld.idx.msk [tilespmem:v8+s25+$0x0], $0xffff  }
0x93: {  	v12 =	vadd.s32 $0x217, v9;
	v16 =	vld.idx.msk [tilespmem:v8+s26+$0x0], $0xffff  }
0x94: {  	v17 =	vld.idx.msk [tilespmem:v10+s25+$0x0], $0xffff  }
0x95: {  	v13 =	vadd.s32 $0x218, v9;
	v18 =	vld.idx.msk [tilespmem:v10+s26+$0x0], $0xffff  }
0x96: {  	v19 =	vld.idx.msk [tilespmem:v11+s25+$0x0], $0xffff  }
0x97: {  	v14 =	vadd.s32 $0x219, v9;
	v20 =	vld.idx.msk [tilespmem:v11+s26+$0x0], $0xffff  }
0x98: {  	v21 =	vld.idx.msk [tilespmem:v12+s25+$0x0], $0xffff  }
0x99: {  	v22 =	vld.idx.msk [tilespmem:v12+s26+$0x0], $0xffff  }
0x9a: {  	v5 =	vmul.f32 v5, v0;
	v25 =	vld.idx.msk [tilespmem:v13+s25+$0x0], $0xffff  }
0x9b: {  	v6 =	vmul.f32 v4, v0;
	v15 =	vadd.s32 $0x21A, v9;
	v28 =	vld.idx.msk [tilespmem:v13+s26+$0x0], $0xffff  }
0x9c: {  	v30 =	vld.idx.msk [tilespmem:v14+s25+$0x0], $0xffff;
	v7 =	vsub.f32 v5, v7  }
0x9d: {  	v31 =	vld.idx.msk [tilespmem:v14+s26+$0x0], $0xffff;
	v23 =	vsub.f32 v6, v16;
	v17 =	vsub.f32 v5, v17  }
0x9e: {  	v18 =	vsub.f32 v6, v18;
	v19 =	vsub.f32 v5, v19  }
0x9f: {  	v20 =	vsub.f32 v6, v20;
	v21 =	vsub.f32 v5, v21  }
0xa0: {  	v32 =	vld.idx.msk [tilespmem:v15+s25+$0x0], $0xffff;
	v52 =	vsub.f32 v6, v22;
	v55 =	vsub.f32 v5, v25  }
0xa1: {  	v16 =	vadd.s32 $0x21B, v9;
	v56 =	vsub.f32 v6, v28;
	v58 =	vsub.f32 v5, v30  }
0xa2: {  	v59 =	vsub.f32 v6, v31;
	v24 =	vmul.f32 v7, v7;
	v23 =	vmul.f32 v23, v23  }
0xa3: {  	v22 =	vadd.s32 $0x221, v9;
	v27 =	vmul.f32 v17, v17;
	v18 =	vmul.f32 v18, v18  }
0xa4: {  	v17 =	vadd.s32 $0x21C, v9;
	v29 =	vmul.f32 v19, v19;
	v20 =	vmul.f32 v20, v20  }
0xa5: {  	v51 =	vld.idx.msk [tilespmem:v15+s26+$0x0], $0xffff;
	v38 =	vsub.f32 v5, v32;
	v53 =	vmul.f32 v21, v21;
	v33 =	vmul.f32 v52, v52  }
0xa6: {  	v19 =	vadd.s32 $0x21D, v9;
	v34 =	vmul.f32 v55, v55;
	v25 =	vmul.f32 v56, v56;
	v54 =	vld.idx.msk [tilespmem:v16+s25+$0x0], $0xffff  }
0xa7: {  	v21 =	vadd.s32 $0x21F, v9;
	v37 =	vmul.f32 v58, v58;
	v30 =	vmul.f32 v59, v59;
	v57 =	vld.idx.msk [tilespmem:v16+s26+$0x0], $0xffff  }
0xa8: {  	v62 =	vmul.f32 v38, v38;
	v26 =	vadd.f32 v23, v24;
	v27 =	vadd.f32 v18, v27;
	v44 =	vld.idx.msk [tilespmem:v22+s25+$0x0], $0xffff  }
0xa9: {  	v29 =	vadd.f32 v20, v29;
	v20 =	vadd.s32 $0x21E, v9;
	v35 =	vadd.f32 v33, v53;
	v60 =	vld.idx.msk [tilespmem:v17+s25+$0x0], $0xffff  }
0xaa: {  	v18 =	vadd.s32 $0x220, v9;
	v32 =	vadd.f32 v25, v34;
	v23 =	vsub.f32 v6, v51;
	v36 =	vld.idx.msk [tilespmem:v17+s26+$0x0], $0xffff  }
0xab: {  	v34 =	vadd.f32 v30, v37;
	v25 =	vadd.s32 $0x224, v9;
	v33 =	vadd.s32 $0x228, v9;
	v39 =	vld.idx.msk [tilespmem:v19+s25+$0x0], $0xffff  }
0xac: {  	v49 =	vmul.f32 v23, v23;
	v23 =	vadd.s32 $0x222, v9;
	vm9 =	vlt.f32 v27, v26;
	v61 =	vld.idx.msk [tilespmem:v19+s26+$0x0], $0xffff  }
0xad: {  	vm1 =	vlt.f32 v35, v29;
	vm10 =	vlt.f32 v34, v32;
	v40 =	vld.idx.msk [tilespmem:v21+s25+$0x0], $0xffff;
	v26 =	vsel vm9, v27, v26  }
0xae: {  	v41 =	vld.idx.msk [tilespmem:v21+s26+$0x0], $0xffff;
	v27 =	vsel vm1, v35, v29;
	v38 =	vadd.f32 v49, v62;
	v24 =	vsub.f32 v5, v54  }
0xaf: {  	v35 =	vimm.s32 $0x0;
	v63 =	vld.idx.msk [tilespmem:v20+s25+$0x0], $0xffff;
	v28 =	vsub.f32 v6, v57;
	v44 =	vsub.f32 v5, v44  }
0xb0: {  	v29 =	vsel vm10, $0xFFFFFFFF, v35;
	v48 =	vld.idx.msk [tilespmem:v20+s26+$0x0], $0xffff;
	v31 =	vsub.f32 v5, v60;
	v36 =	vsub.f32 v6, v36  }
0xb1: {  	v58 =	vld.idx.msk [tilespmem:v22+s26+$0x0], $0xffff;
	v24 =	vmul.f32 v24, v24;
	v28 =	vmul.f32 v28, v28;
	v53 =	vsub.f32 v5, v39  }
0xb2: {  	v52 =	vld.idx.msk [tilespmem:v18+s25+$0x0], $0xffff;
	v55 =	vsub.f32 v6, v61;
	v40 =	vsub.f32 v5, v40;
	v44 =	vmul.f32 v44, v44  }
0xb3: {  	v54 =	vld.idx.msk [tilespmem:v18+s26+$0x0], $0xffff;
	v41 =	vsub.f32 v6, v41;
	v50 =	vmul.f32 v31, v31;
	v51 =	vmul.f32 v36, v36  }
0xb4: {  	v45 =	vld.idx.msk [tilespmem:v23+s25+$0x0], $0xffff;
	v42 =	vadd.f32 v28, v24;
	v24 =	vadd.s32 $0x223, v9;
	v56 =	vmul.f32 v53, v53  }
0xb5: {  	v47 =	vld.idx.msk [tilespmem:v23+s26+$0x0], $0xffff;
	v57 =	vsub.f32 v5, v63;
	v30 =	vmul.f32 v55, v55;
	v37 =	vsub.f32 v6, v48  }
0xb6: {  	v62 =	vld.idx.msk [tilespmem:v25+s26+$0x0], $0xffff;
	v28 =	vadd.s32 $0x225, v9;
	v60 =	vmul.f32 v40, v40;
	v41 =	vmul.f32 v41, v41  }
0xb7: {  	v36 =	vsub.f32 v5, v52;
	v31 =	vadd.s32 $0x227, v9;
	v43 =	vadd.f32 v51, v50;
	v50 =	vld.idx.msk [tilespmem:v25+s25+$0x0], $0xffff  }
0xb8: {  	v39 =	vsub.f32 v6, v54;
	v46 =	vmul.f32 v57, v57;
	v48 =	vadd.f32 v30, v56;
	v57 =	vld.idx.msk [tilespmem:v33+s25+$0x0], $0xffff  }
0xb9: {  	v59 =	vmul.f32 v37, v37;
	v30 =	vadd.s32 $0x226, v9;
	v37 =	vadd.f32 v41, v60;
	v61 =	vld.idx.msk [tilespmem:v24+s25+$0x0], $0xffff  }
0xba: {  	v36 =	vmul.f32 v36, v36;
	v45 =	vsub.f32 v5, v45;
	v47 =	vsub.f32 v6, v47;
	v49 =	vld.idx.msk [tilespmem:v24+s26+$0x0], $0xffff  }
0xbb: {  	v51 =	vsub.f32 v6, v58;
	v41 =	vsub.f32 v6, v62;
	v39 =	vmul.f32 v39, v39;
	v52 =	vld.idx.msk [tilespmem:v28+s25+$0x0], $0xffff  }
0xbc: {  	vm11 =	vlt.f32 v42, v38;
	v45 =	vmul.f32 v45, v45;
	v47 =	vmul.f32 v47, v47;
	v53 =	vld.idx.msk [tilespmem:v28+s26+$0x0], $0xffff  }
0xbd: {  	v46 =	vadd.f32 v59, v46;
	v51 =	vmul.f32 v51, v51;
	v59 =	vadd.s32 $0x22B, v9;
	v56 =	vld.idx.msk [tilespmem:v31+s25+$0x0], $0xffff  }
0xbe: {  	v39 =	vadd.f32 v39, v36;
	v36 =	vadd.s32 $0x229, v9;
	v45 =	vadd.f32 v47, v45;
	v47 =	vld.idx.msk [tilespmem:v31+s26+$0x0], $0xffff  }
0xbf: {  	v41 =	vmul.f32 v41, v41;
	vm2 =	vlt.f32 v48, v43;
	v54 =	vld.idx.msk [tilespmem:v30+s25+$0x0], $0xffff;
	v50 =	vsub.f32 v5, v50  }
0xc0: {  	v44 =	vadd.f32 v51, v44;
	v51 =	vadd.s32 $0x22A, v9;
	v55 =	vld.idx.msk [tilespmem:v30+s26+$0x0], $0xffff;
	v40 =	vsub.f32 v5, v61  }
0xc1: {  	v50 =	vmul.f32 v50, v50;
	v49 =	vsub.f32 v6, v49;
	v52 =	vsub.f32 v5, v52  }
0xc2: {  	v58 =	vld.idx.msk [tilespmem:v33+s26+$0x0], $0xffff;
	vm12 =	vlt.f32 v37, v46;
	v53 =	vsub.f32 v6, v53;
	v56 =	vsub.f32 v5, v56  }
0xc3: {  	v60 =	vld.idx.msk [tilespmem:v36+s25+$0x0], $0xffff;
	v47 =	vsub.f32 v6, v47;
	v41 =	vadd.f32 v41, v50;
	v40 =	vmul.f32 v40, v40  }
0xc4: {  	v61 =	vld.idx.msk [tilespmem:v36+s26+$0x0], $0xffff;
	v49 =	vmul.f32 v49, v49;
	v54 =	vsub.f32 v5, v54;
	v52 =	vmul.f32 v52, v52  }
0xc5: {  	v62 =	vld.idx.msk [tilespmem:v51+s26+$0x0], $0xffff;
	v55 =	vsub.f32 v6, v55;
	v63 =	vmul.f32 v56, v56;
	v56 =	vsub.f32 v5, v57  }
0xc6: {  	v50 =	vld.idx.msk [tilespmem:v59+s25+$0x0], $0xffff;
	v47 =	vmul.f32 v47, v47;
	v40 =	vadd.f32 v49, v40;
	v49 =	vmul.f32 v53, v53  }
0xc7: {  	v57 =	vsub.f32 v6, v58;
	v53 =	vmul.f32 v54, v54;
	v55 =	vmul.f32 v55, v55  }
0xc8: {  	v56 =	vmul.f32 v56, v56;
	v47 =	vadd.f32 v47, v63;
	v63 =	vsub.f32 v5, v60  }
0xc9: {  	v57 =	vmul.f32 v57, v57;
	v58 =	vsub.f32 v6, v61;
	v49 =	vadd.f32 v49, v52  }
0xca: {  	vm13 =	vlt.f32 v44, v39;
	v52 =	vadd.f32 v55, v53;
	v60 =	vsub.f32 v6, v62  }
0xcb: {  	v54 =	vld.idx.msk [tilespmem:v51+s25+$0x0], $0xffff;
	v50 =	vsub.f32 v5, v50;
	v56 =	vadd.f32 v57, v56;
	v62 =	vimm.s32 $0x0  }
0xcc: {  	vm14 =	vlt.f32 v40, v45;
	v53 =	vmul.f32 v63, v63;
	v58 =	vmul.f32 v58, v58  }
0xcd: {  	v55 =	vld.idx.msk [tilespmem:v59+s26+$0x0], $0xffff;
	v57 =	vsel vm9, $0xFFFFFFFF, v62;
	v63 =	vimm.s32 $0x0;
	v62 =	vimm.s32 $0x0  }
0xce: {  	v60 =	vmul.f32 v60, v60;
	v61 =	vmul.f32 v50, v50;
	[tilespmem:$0x1FF70] =	vst v57;
	v57 =	vsel vm1, $0xFFFFFFFF, v63  }
0xcf: {  	v63 =	vsel vm12, v37, v46;
	v37 =	vsel vm13, v44, v39;
	v46 =	vsel vm14, v40, v45  }
0xd0: {  	vm15 =	vlt.f32 v49, v41;
	vm9 =	vlt.f32 v47, v52;
	v54 =	vsub.f32 v5, v54  }
0xd1: {  	v53 =	vadd.f32 v58, v53;
	[tilespmem:$0x1FF80] =	vst v57;
	v57 =	vimm.s32 $0x0;
	v58 =	vimm.s32 $0x0  }
0xd2: {  	[tilespmem:$0x1FF90] =	vst v29;
	v29 =	vsel vm11, $0xFFFFFFFF, v57;
	v57 =	vsel vm15, v49, v41;
	v55 =	vsub.f32 v6, v55  }
0xd3: {  	v54 =	vmul.f32 v54, v54;
	[tilespmem:$0x1FFA0] =	vst v29;
	v29 =	vsel vm2, $0xFFFFFFFF, v58;
	v58 =	vsel vm9, v47, v52  }
0xd4: {  	[tilespmem:$0x1FFB0] =	vst v29;
	v29 =	vsel vm10, v34, v32;
	v32 =	vsel vm11, v42, v38;
	v34 =	vsel vm2, v48, v43  }
0xd5: {  	v48 =	vimm.s32 $0x0;
	vm10 =	vlt.f32 v53, v56;
	vm7 =	vlt.f32 v58, v57  }
0xd6: {  	v55 =	vmul.f32 v55, v55;
	v54 =	vadd.f32 v60, v54;
	v60 =	vimm.s32 $0x0  }
0xd7: {  	v39 =	vsel vm15, $0xFFFFFFFF, v48;
	vm15 =	vlt.f32 v46, v37;
	v43 =	vsel vm7, v58, v57  }
0xd8: {  	v35 =	vsel vm12, $0xFFFFFFFF, v60;
	v60 =	vsel vm10, v53, v56;
	vm12 =	vlt.f32 v27, v26  }
0xd9: {  	v38 =	vsel vm15, v46, v37;
	v55 =	vadd.f32 v55, v61;
	v61 =	vimm.s32 $0x0  }
0xda: {  	[tilespmem:$0x1FFC0] =	vst v35;
	v26 =	vsel vm12, v27, v26;
	v35 =	vsel vm13, $0xFFFFFFFF, v61;
	vm13 =	vlt.f32 v32, v29  }
0xdb: {  	[tilespmem:$0x1FFD0] =	vst v35;
	v35 =	vsel vm14, $0xFFFFFFFF, v62;
	vm11 =	vlt.f32 v55, v54;
	vm14 =	vlt.f32 v63, v34  }
0xdc: {  	v62 =	vsel vm13, v32, v29;
	v61 =	vsel vm11, v55, v54;
	v63 =	vsel vm14, v63, v34  }
0xdd: {  	vm4 =	vlt.f32 v62, v26;
	vm6 =	vlt.f32 v61, v60;
	vm5 =	vlt.f32 v38, v63  }
0xde: {  	v26 =	vsel vm4, v62, v26;
	v44 =	vsel vm6, v61, v60;
	v45 =	vsel vm5, v38, v63  }
0xdf: {  	vm2 =	vlt.f32 v44, v43;
	vm3 =	vlt.f32 v45, v26  }
0xe0: {  	v46 =	vsel vm2, v44, v43;
	v26 =	vsel vm3, v45, v26  }
0xe1: {  	v47 =	vsub.f32 $0.0e+00, v50;
	vm1 =	vlt.f32 v46, v26  }
0xe2: {  	v26 =	vsel vm1, v46, v26  }
0xe3: {  	v7 =	vmin.f32 v7, v47;
	vm0 =	vlt.f32 v26, $+Inf;
	vm8 =	vgt.f32 v26, $+Inf  }
0xe4: {  	v27 =	vmul.f32 v7, v7;
	vm0 =	vmor vm8, vm0  }
0xe5: {  	v7 =	vnsel vm0, $0x7F800000, v26  }
0xe6: {  	vm8 =	vle.f32 v27, v7  }
0xe7: {  	v48 =	vsel vm8, $0x1, v1  }
0xe8: {  	v26 =	vor.u32 $0x80000000, v48  }
0xe9: {  	v49 =	vld [tilespmem:$0x1FF70];
	(xrf0) =	vmax.scan.msk.u32 $0xffff, v26;
	_ =	sdelay $0x4  }
0xea: {  	vm8 =	vnez.u8 v49  }
0xeb: {  	v8 =	vsel vm8, v10, v8;
	v10 =	vld [tilespmem:$0x1FF80];
	v26, _, _ =	vpop (xrf0)  }
0xec: {  	(v2sf) =	vpush v26, $0xF;
	_ =	sdelay $0x3  }
0xed: {  	vm8 =	vnez.u8 v10  }
0xee: {  	v10 =	vsel vm8, v12, v11;
	v11 =	vld [tilespmem:$0x1FF90]  }
0xef: {  	v50 =	vld [tilespmem:$0x1FFA0]  }
0xf0: {  	v52 =	vld [tilespmem:$0x1FFB0]  }
0xf1: {  	v53 =	vld [tilespmem:$0x1FFC0]  }
0xf2: {  	[tilespmem:$0x1FFE0] =	vst v35;
	v54 =	vld [tilespmem:$0x1FFD0]  }
0xf3: {  	[tilespmem:$0x1FFF0] =	vst v39;
	v55 =	vld [tilespmem:$0x1FFE0];
	vm8 =	vnez.u8 v11  }
0xf4: {  	v57 =	vsel vm9, v31, v30;
	v56 =	vld [tilespmem:$0x1FFF0];
	v11 =	vsel vm8, v14, v13;
	vm8 =	vnez.u8 v50  }
0xf5: {  	v58 =	vsel vm10, v36, v33;
	v12 =	vsel vm8, v16, v15;
	vm8 =	vnez.u8 v52  }
0xf6: {  	v60 =	vsel vm11, v59, v51;
	v13 =	vsel vm8, v19, v17;
	vm8 =	vnez.u8 v53  }
0xf7: {  	v63 =	vsel vm6, v60, v58;
	v14 =	vsel vm8, v21, v20;
	vm8 =	vnez.u8 v54  }
0xf8: {  	v8 =	vsel vm12, v10, v8;
	v15 =	vsel vm8, v22, v18;
	vm8 =	vnez.u8 v55;
	s22 =	spop (v2sf)  }
0xf9: {  	v10 =	vsel vm13, v12, v11;
	v16 =	vsel vm8, v24, v23;
	vm8 =	vnez.u8 v56;
	p0 =	slt.u32 s22, $0x80000001  }
.Ltmp4:
0xfa: {  	v11 =	vsel vm14, v14, v13;
	v17 =	vsel vm8, v28, v25;
	v61 =	vsel vm15, v16, v15;
	(pc) =	sbr.rel @p0 .LBB2_5-.Ltmp4, $4  }
0xfb: {  	v8 =	vsel vm4, v10, v8;
	v62 =	vsel vm7, v57, v17;
	v10 =	vsel vm5, v61, v11  }
0xfc: {  	v11 =	vsel vm2, v63, v62;
	v8 =	vsel vm3, v10, v8  }
0xfd: {  	v8 =	vsel vm1, v11, v8  }
0xfe: {  	v8 =	vsel vm0, v8, v18  }
0xff: {  	v10 =	vadd.s32 $0x22C, v9;
	v9 =	vadd.s32 $0x208, v9  }
.LBB2_4:
0x100: {  	v11 =	vadd.s32 $0x1, v9;
	_ =	sdelay $0x1  }
0x101: {  	v12 =	vadd.s32 $0x2, v9  }
0x102: {  	v16 =	vld.idx.msk [tilespmem:v9+s25+$0x0], $0xffff  }
0x103: {  	v17 =	vld.idx.msk [tilespmem:v9+s26+$0x0], $0xffff;
	v13 =	vadd.s32 $0x3, v9  }
0x104: {  	v19 =	vld.idx.msk [tilespmem:v11+s25+$0x0], $0xffff  }
0x105: {  	v14 =	vadd.s32 $0x4, v9;
	v20 =	vld.idx.msk [tilespmem:v11+s26+$0x0], $0xffff  }
0x106: {  	v21 =	vld.idx.msk [tilespmem:v12+s25+$0x0], $0xffff  }
0x107: {  	v15 =	vadd.s32 $0x5, v9;
	v22 =	vld.idx.msk [tilespmem:v12+s26+$0x0], $0xffff  }
0x108: {  	v23 =	vld.idx.msk [tilespmem:v13+s25+$0x0], $0xffff  }
0x109: {  	v24 =	vld.idx.msk [tilespmem:v13+s26+$0x0], $0xffff  }
0x10a: {  	v29 =	vld.idx.msk [tilespmem:v14+s25+$0x0], $0xffff  }
0x10b: {  	v18 =	vsub.f32 v5, v16;
	v16 =	vadd.s32 $0x6, v9;
	v25 =	vsub.f32 v6, v17;
	v31 =	vld.idx.msk [tilespmem:v14+s26+$0x0], $0xffff  }
0x10c: {  	v17 =	vadd.s32 $0x7, v9;
	v32 =	vld.idx.msk [tilespmem:v15+s25+$0x0], $0xffff;
	v19 =	vsub.f32 v5, v19;
	v20 =	vsub.f32 v6, v20  }
0x10d: {  	v33 =	vld.idx.msk [tilespmem:v15+s26+$0x0], $0xffff;
	v26 =	vmul.f32 v18, v18;
	v21 =	vsub.f32 v5, v21;
	v22 =	vsub.f32 v6, v22  }
0x10e: {  	v25 =	vmul.f32 v25, v25;
	v23 =	vsub.f32 v5, v23;
	v46 =	vsub.f32 v6, v24  }
0x10f: {  	v58 =	vld.idx.msk [tilespmem:v10+s25+$0x0], $0xffff;
	v28 =	vmul.f32 v19, v19;
	v20 =	vmul.f32 v20, v20;
	v19 =	vadd.s32 $0x8, v9  }
0x110: {  	v34 =	vld.idx.msk [tilespmem:v16+s25+$0x0], $0xffff;
	v48 =	vsub.f32 v5, v29;
	v49 =	vsub.f32 v6, v31;
	v21 =	vmul.f32 v21, v21  }
0x111: {  	v45 =	vld.idx.msk [tilespmem:v16+s26+$0x0], $0xffff;
	v22 =	vmul.f32 v22, v22;
	v28 =	vadd.f32 v20, v28;
	v20 =	vadd.s32 $0x9, v9  }
0x112: {  	v47 =	vld.idx.msk [tilespmem:v17+s25+$0x0], $0xffff;
	v32 =	vsub.f32 v5, v32;
	v33 =	vsub.f32 v6, v33;
	v23 =	vmul.f32 v23, v23  }
0x113: {  	v50 =	vld.idx.msk [tilespmem:v17+s26+$0x0], $0xffff;
	v35 =	vmul.f32 v46, v46;
	v30 =	vadd.f32 v22, v21;
	v21 =	vadd.s32 $0xA, v9  }
0x114: {  	v27 =	vadd.f32 v25, v26;
	v26 =	vmul.f32 v48, v48;
	v29 =	vmul.f32 v49, v49;
	v36 =	vld.idx.msk [tilespmem:v19+s25+$0x0], $0xffff  }
0x115: {  	v32 =	vmul.f32 v32, v32;
	v38 =	vmul.f32 v33, v33;
	v22 =	vadd.s32 $0xB, v9;
	v37 =	vld.idx.msk [tilespmem:v19+s26+$0x0], $0xffff  }
0x116: {  	v35 =	vadd.f32 v35, v23;
	v33 =	vadd.f32 v29, v26;
	v23 =	vadd.s32 $0x1, v10;
	v40 =	vld.idx.msk [tilespmem:v20+s25+$0x0], $0xffff  }
0x117: {  	v26 =	vadd.s32 $0x4, v10;
	v39 =	vsub.f32 v5, v34;
	v25 =	vsub.f32 v6, v45;
	v51 =	vld.idx.msk [tilespmem:v20+s26+$0x0], $0xffff  }
0x118: {  	v29 =	vadd.s32 $0x5, v10;
	v24 =	vsub.f32 v5, v47;
	v31 =	vsub.f32 v6, v50;
	v53 =	vld.idx.msk [tilespmem:v21+s25+$0x0], $0xffff  }
0x119: {  	v34 =	vadd.f32 v38, v32;
	v52 =	vmul.f32 v39, v39;
	v25 =	vmul.f32 v25, v25;
	v54 =	vld.idx.msk [tilespmem:v21+s26+$0x0], $0xffff  }
0x11a: {  	vm0 =	vlt.f32 v28, v27;
	v41 =	vmul.f32 v24, v24;
	v31 =	vmul.f32 v31, v31;
	v55 =	vld.idx.msk [tilespmem:v22+s25+$0x0], $0xffff  }
0x11b: {  	vm1 =	vlt.f32 v35, v30;
	v24 =	vadd.s32 $0x2, v10;
	v27 =	vsel vm0, v28, v27;
	v42 =	vld.idx.msk [tilespmem:v22+s26+$0x0], $0xffff  }
0x11c: {  	v60 =	vld.idx.msk [tilespmem:v10+s26+$0x0], $0xffff;
	v28 =	vsel vm1, v35, v30;
	v43 =	vadd.f32 v25, v52;
	v41 =	vadd.f32 v31, v41  }
0x11d: {  	vm10 =	vlt.f32 v34, v33;
	v62 =	vld.idx.msk [tilespmem:v23+s25+$0x0], $0xffff;
	v36 =	vsub.f32 v5, v36;
	v37 =	vsub.f32 v6, v37  }
0x11e: {  	v25 =	vadd.s32 $0x3, v10;
	v45 =	vld.idx.msk [tilespmem:v23+s26+$0x0], $0xffff;
	v59 =	vsub.f32 v5, v40;
	v61 =	vsub.f32 v6, v51  }
0x11f: {  	v56 =	vmul.f32 v36, v36;
	v32 =	vsub.f32 v5, v53;
	v38 =	vsub.f32 v6, v54  }
0x120: {  	v63 =	vld.idx.msk [tilespmem:v26+s26+$0x0], $0xffff;
	v57 =	vmul.f32 v37, v37;
	v39 =	vsub.f32 v5, v55;
	v42 =	vsub.f32 v6, v42  }
0x121: {  	v47 =	vld.idx.msk [tilespmem:v24+s25+$0x0], $0xffff;
	v37 =	vsub.f32 v5, v58;
	v40 =	vsub.f32 v6, v60;
	v31 =	vmul.f32 v59, v59  }
0x122: {  	v48 =	vld.idx.msk [tilespmem:v24+s26+$0x0], $0xffff;
	v52 =	vsub.f32 v5, v62;
	v46 =	vmul.f32 v61, v61;
	v32 =	vmul.f32 v32, v32  }
0x123: {  	v49 =	vld.idx.msk [tilespmem:v25+s25+$0x0], $0xffff;
	v45 =	vsub.f32 v6, v45;
	v38 =	vmul.f32 v38, v38;
	v39 =	vmul.f32 v39, v39  }
0x124: {  	v50 =	vld.idx.msk [tilespmem:v25+s26+$0x0], $0xffff;
	v36 =	vadd.s32 $0x8, v10;
	v42 =	vmul.f32 v42, v42;
	v37 =	vmul.f32 v37, v37  }
0x125: {  	v51 =	vld.idx.msk [tilespmem:v26+s25+$0x0], $0xffff;
	v44 =	vadd.f32 v57, v56;
	v40 =	vmul.f32 v40, v40;
	v60 =	vmul.f32 v52, v52  }
0x126: {  	v53 =	vld.idx.msk [tilespmem:v29+s25+$0x0], $0xffff;
	v47 =	vsub.f32 v5, v47;
	v46 =	vadd.f32 v46, v31;
	v31 =	vadd.s32 $0x6, v10  }
0x127: {  	v54 =	vld.idx.msk [tilespmem:v29+s26+$0x0], $0xffff;
	v45 =	vmul.f32 v45, v45;
	v48 =	vsub.f32 v6, v48;
	v38 =	vadd.f32 v38, v32  }
0x128: {  	v56 =	vadd.s32 $0x9, v10;
	v39 =	vadd.f32 v42, v39;
	v37 =	vadd.f32 v40, v37  }
0x129: {  	v32 =	vadd.s32 $0x7, v10;
	v40 =	vadd.f32 v45, v60;
	v42 =	vsub.f32 v6, v63  }
0x12a: {  	v60 =	vadd.s32 $0xB, v10;
	v47 =	vmul.f32 v47, v47;
	v49 =	vsub.f32 v5, v49;
	v58 =	vld.idx.msk [tilespmem:v36+s25+$0x0], $0xffff  }
0x12b: {  	v48 =	vmul.f32 v48, v48;
	v50 =	vsub.f32 v6, v50;
	v51 =	vsub.f32 v5, v51;
	v52 =	vld.idx.msk [tilespmem:v31+s25+$0x0], $0xffff  }
0x12c: {  	v35 =	vimm.s32 $0x0;
	v53 =	vsub.f32 v5, v53;
	v54 =	vsub.f32 v6, v54;
	v55 =	vld.idx.msk [tilespmem:v31+s26+$0x0], $0xffff  }
0x12d: {  	v42 =	vmul.f32 v42, v42;
	v45 =	vadd.f32 v48, v47;
	v49 =	vmul.f32 v49, v49;
	v61 =	vld.idx.msk [tilespmem:v56+s25+$0x0], $0xffff  }
0x12e: {  	v48 =	vadd.s32 $0xA, v10;
	v50 =	vmul.f32 v50, v50;
	v51 =	vmul.f32 v51, v51;
	v57 =	vld.idx.msk [tilespmem:v32+s25+$0x0], $0xffff  }
0x12f: {  	vm11 =	vlt.f32 v41, v43;
	vm2 =	vlt.f32 v46, v44;
	v53 =	vmul.f32 v53, v53;
	v47 =	vld.idx.msk [tilespmem:v32+s26+$0x0], $0xffff  }
0x130: {  	v49 =	vadd.f32 v50, v49;
	v50 =	vmul.f32 v54, v54;
	v42 =	vadd.f32 v42, v51;
	v51 =	vld.idx.msk [tilespmem:v60+s25+$0x0], $0xffff  }
0x131: {  	v59 =	vld.idx.msk [tilespmem:v36+s26+$0x0], $0xffff;
	vm13 =	vlt.f32 v40, v37;
	v52 =	vsub.f32 v5, v52;
	v55 =	vsub.f32 v6, v55  }
0x132: {  	vm12 =	vlt.f32 v39, v38;
	v62 =	vld.idx.msk [tilespmem:v56+s26+$0x0], $0xffff;
	v37 =	vsel vm13, v40, v37;
	v50 =	vadd.f32 v50, v53  }
0x133: {  	v54 =	vld.idx.msk [tilespmem:v48+s25+$0x0], $0xffff;
	v61 =	vsub.f32 v5, v61;
	v52 =	vmul.f32 v52, v52;
	v55 =	vmul.f32 v55, v55  }
0x134: {  	vm14 =	vlt.f32 v49, v45;
	v63 =	vld.idx.msk [tilespmem:v48+s26+$0x0], $0xffff;
	v57 =	vsub.f32 v5, v57;
	v47 =	vsub.f32 v6, v47  }
0x135: {  	vm15 =	vlt.f32 v50, v42;
	v51 =	vsub.f32 v5, v51;
	v52 =	vadd.f32 v55, v52;
	v55 =	vld.idx.msk [tilespmem:v60+s26+$0x0], $0xffff  }
0x136: {  	v53 =	vmul.f32 v57, v57;
	v47 =	vmul.f32 v47, v47;
	v57 =	vsub.f32 v5, v58  }
0x137: {  	v50 =	vsel vm15, v50, v42;
	v58 =	vsub.f32 v6, v59;
	v59 =	vsub.f32 v6, v62  }
0x138: {  	v54 =	vsub.f32 v5, v54;
	v47 =	vadd.f32 v47, v53;
	v57 =	vmul.f32 v57, v57  }
0x139: {  	v58 =	vmul.f32 v58, v58;
	v53 =	vmul.f32 v61, v61;
	v61 =	vsub.f32 v6, v63  }
0x13a: {  	v59 =	vmul.f32 v59, v59;
	v63 =	vmul.f32 v51, v51;
	v55 =	vsub.f32 v6, v55  }
0x13b: {  	v54 =	vmul.f32 v54, v54;
	v57 =	vadd.f32 v58, v57;
	v62 =	vmul.f32 v61, v61  }
0x13c: {  	v53 =	vadd.f32 v59, v53;
	v61 =	vimm.s32 $0x0;
	v55 =	vmul.f32 v55, v55  }
0x13d: {  	v58 =	vsel vm0, $0xFFFFFFFF, v61;
	v54 =	vadd.f32 v62, v54;
	v62 =	vimm.s32 $0x0  }
0x13e: {  	[tilespmem:$0x1FEE0] =	vst v58;
	v58 =	vsel vm1, $0xFFFFFFFF, v62;
	v55 =	vadd.f32 v55, v63;
	v63 =	vimm.s32 $0x0  }
0x13f: {  	v59 =	vimm.s32 $0x0;
	vm9 =	vlt.f32 v47, v52;
	[tilespmem:$0x1FEF0] =	vst v58;
	v30 =	vsel vm10, $0xFFFFFFFF, v63  }
0x140: {  	v61 =	vimm.s32 $0x0;
	v62 =	vimm.s32 $0x0;
	[tilespmem:$0x1FF00] =	vst v30;
	v30 =	vsel vm11, $0xFFFFFFFF, v35  }
0x141: {  	v58 =	vimm.s32 $0x0;
	v63 =	vsel vm12, v39, v38;
	v35 =	vsel vm12, $0xFFFFFFFF, v59;
	[tilespmem:$0x1FF10] =	vst v30  }
0x142: {  	vm12 =	vlt.f32 v28, v27;
	v30 =	vsel vm2, $0xFFFFFFFF, v58;
	[tilespmem:$0x1FF30] =	vst v35;
	v35 =	vsel vm13, $0xFFFFFFFF, v61  }
0x143: {  	v58 =	vsel vm9, v47, v52;
	v27 =	vsel vm12, v28, v27;
	[tilespmem:$0x1FF20] =	vst v30;
	v30 =	vsel vm10, v34, v33  }
0x144: {  	v33 =	vsel vm11, v41, v43;
	v34 =	vsel vm2, v46, v44;
	[tilespmem:$0x1FF40] =	vst v35;
	v35 =	vsel vm14, $0xFFFFFFFF, v62  }
0x145: {  	v46 =	vsel vm14, v49, v45;
	v49 =	vimm.s32 $0x0;
	vm10 =	vlt.f32 v53, v57  }
0x146: {  	vm11 =	vlt.f32 v55, v54;
	vm7 =	vlt.f32 v58, v50;
	v39 =	vsel vm15, $0xFFFFFFFF, v49  }
0x147: {  	v59 =	vsel vm10, v53, v57;
	vm13 =	vlt.f32 v33, v30;
	v61 =	vsel vm11, v55, v54  }
0x148: {  	vm14 =	vlt.f32 v63, v34;
	vm15 =	vlt.f32 v46, v37;
	v62 =	vsel vm13, v33, v30  }
0x149: {  	[tilespmem:$0x1FF60] =	vst v39;
	v63 =	vsel vm14, v63, v34;
	v38 =	vsel vm15, v46, v37;
	v39 =	vsel vm7, v58, v50  }
0x14a: {  	vm6 =	vlt.f32 v61, v59;
	vm4 =	vlt.f32 v62, v27;
	vm5 =	vlt.f32 v38, v63  }
0x14b: {  	v40 =	vsel vm6, v61, v59;
	v27 =	vsel vm4, v62, v27;
	v41 =	vsel vm5, v38, v63  }
0x14c: {  	vm2 =	vlt.f32 v40, v39;
	vm3 =	vlt.f32 v41, v27  }
0x14d: {  	v43 =	vsub.f32 $0.0e+00, v51;
	v42 =	vsel vm2, v40, v39;
	v27 =	vsel vm3, v41, v27  }
0x14e: {  	vm1 =	vlt.f32 v42, v27  }
0x14f: {  	v18 =	vmin.f32 v18, v43;
	v27 =	vsel vm1, v42, v27  }
0x150: {  	v18 =	vmul.f32 v18, v18;
	vm0 =	vlt.f32 v27, v7  }
0x151: {  	v7 =	vsel vm0, v27, v7  }
0x152: {  	vm8 =	vle.f32 v18, v7  }
0x153: {  	v18 =	vsel vm8, $0x1, v1  }
0x154: {  	v18 =	vor.u32 $0x80000000, v18  }
0x155: {  	(xrf0) =	vmax.scan.msk.u32 $0xffff, v18;
	_ =	sdelay $0x5  }
0x156: {  	v18, _, _ =	vpop (xrf0)  }
0x157: {  	(v2sf) =	vpush v18, $0xF;
	_ =	sdelay $0x2  }
0x158: {  	v44 =	vld [tilespmem:$0x1FEE0]  }
0x159: {  	v45 =	vld [tilespmem:$0x1FEF0]  }
0x15a: {  	v46 =	vld [tilespmem:$0x1FF00]  }
0x15b: {  	v47 =	vld [tilespmem:$0x1FF10]  }
0x15c: {  	v49 =	vld [tilespmem:$0x1FF20]  }
0x15d: {  	v50 =	vld [tilespmem:$0x1FF30];
	vm8 =	vnez.u8 v44  }
0x15e: {  	[tilespmem:$0x1FF50] =	vst v35;
	v51 =	vld [tilespmem:$0x1FF40];
	v11 =	vsel vm8, v11, v9;
	vm8 =	vnez.u8 v45  }
0x15f: {  	v52 =	vld [tilespmem:$0x1FF50];
	v12 =	vsel vm8, v13, v12;
	vm8 =	vnez.u8 v46  }
0x160: {  	v54 =	vsel vm9, v32, v31;
	v53 =	vld [tilespmem:$0x1FF60];
	v13 =	vsel vm8, v15, v14;
	vm8 =	vnez.u8 v47  }
0x161: {  	v55 =	vsel vm10, v56, v36;
	v14 =	vsel vm8, v17, v16;
	vm8 =	vnez.u8 v49  }
0x162: {  	v56 =	vsel vm11, v60, v48;
	v15 =	vsel vm8, v20, v19;
	vm8 =	vnez.u8 v50  }
0x163: {  	v61 =	vsel vm6, v56, v55;
	v16 =	vsel vm8, v22, v21;
	vm8 =	vnez.u8 v51  }
0x164: {  	v11 =	vsel vm12, v12, v11;
	v17 =	vsel vm8, v23, v10;
	vm8 =	vnez.u8 v52;
	s22 =	spop (v2sf)  }
0x165: {  	v57 =	vsel vm13, v14, v13;
	v18 =	vsel vm8, v25, v24;
	vm8 =	vnez.u8 v53;
	p0 =	sgt.u32 s22, $0x80000000  }
.Ltmp5:
0x166: {  	v58 =	vsel vm14, v16, v15;
	v19 =	vsel vm8, v29, v26;
	v59 =	vsel vm15, v18, v17;
	(pc) =	sbr.rel @p0 .LBB2_4-.Ltmp5, $4  }
0x167: {  	v11 =	vsel vm4, v57, v11;
	v60 =	vsel vm7, v54, v19;
	v62 =	vsel vm5, v59, v58  }
0x168: {  	v63 =	vsel vm2, v61, v60;
	v11 =	vsel vm3, v62, v11  }
0x169: {  	v11 =	vsel vm1, v63, v11  }
0x16a: {  	v9 =	vadd.s32 $0xFFFFFFF4, v9;
	v10 =	vadd.s32 $0xC, v10;
	v8 =	vsel vm0, v11, v8  }
.Ltmp6:
0x16b: {  	_ = 	snop;
	(pc) =	sbr.rel .LBB2_5-.Ltmp6, $1  }
0x16c: {  	_ =	sdelay $0x3  }
.LBB2_7:
0x16d: {  	_ =	sfence.sel $0x180000  }
0x16e: {  	[bflag:$0x0] =	sbarrier.arrive $0xFFFF  }
0x16f: {  	_ =	strace $0x90000047  }
0x170: {  	s0 =	stileid.u32;
	[bflag:$0x2] =	sbarrier.arrive $0xFFFF  }
0x171: {  	p0 =	sne.s32 s0, $0x0;
	s0 =	rddreg [dreg:$0x2]  }
0x172: {  	s0 =	sadd.s32 @!p0 $0x100000, s0  }
0x173: {  	[sflag:s0] =	ssyncadd.tile.s32 @!p0 $0x1;
	_ =	shalt  }
.Lfunc_end2:
_tile_overlayer_lowered:
.L_overlay_start_2:
0x174: {  	(tag) =	ssettag $0x2  }
0x175: {  	s0 =	rddreg [dreg:$0x0];
	s2 =	stileid.u32  }
0x176: {  	s1 =	rddreg [dreg:$0x1];
	p0 =	sne.s32 s2, $0x0  }
0x177: {  	s3 =	rddreg [dreg:$0x2];
	[bflag:$0x3] =	sbarrier.arrive $0xFFFF;
	s2 =	simm.s32 @!p0 $0x1C02  }
0x178: {  	[timem:s3], [sflag:s2] =	dma.local @!p0 [hbm:s0], s1  }
0x179: {  	s0 =	simm.s32 @!p0 $0x2  }
0x17a: {  	_ =	swait.ge @!p0 [sflag:s0], s1  }
0x17b: {  	s1 =	ssub.s32 @!p0 $0x0, s1;
	[sflag:s0] =	ssyncset.done @!p0 $0x0  }
0x17c: {  	[sflag:s0] =	ssyncadd.s32 @!p0 s1  }
0x17d: {  	[bflag:$0x3] =	sbarrier.arrive $0xFFFF  }
0x17e: {  	_ =	shalt  }

</sc_bundles>
